<compile_context>
chip_gen: v7x
topology: tpu7x:2x2x1
jax: 0.10.2.dev20260603
libtpu: 0.0.44.dev20260713+nightly
codegen_flags: <defaults>
</compile_context>

<pallas_src>
import functools

import jax
import jax.numpy as jnp
from jax import lax
from jax.experimental import pallas as pl
from jax.experimental.pallas import tpu as pltpu
from jax.experimental.pallas import tpu_sc as plsc

_L = 16


def kernel(features, embedding_list):
    B, N, d1 = features.shape
    _, R, d2 = embedding_list.shape
    D = d1 + d2
    NC, NS = 2, 16
    NW = NC * NS
    wpb = NW // B
    n_per_w = N // wpb

    mesh = plsc.VectorSubcoreMesh(
        core_axis_name="c", subcore_axis_name="s", num_cores=NC, num_subcores=NS
    )

    @functools.partial(
        pl.kernel,
        out_type=jax.ShapeDtypeStruct((B, N, R, D), jnp.float32),
        mesh=mesh,
        scratch_types=[
            pltpu.VMEM((R, D), jnp.float32),
            pltpu.VMEM((R, D), jnp.float32),
            pltpu.VMEM((n_per_w, d1), jnp.float32),
            pltpu.VMEM((R, d2), jnp.float32),
            pltpu.SemaphoreType.DMA,
            pltpu.SemaphoreType.DMA,
        ],
    )
    def merge(feat_hbm, emb_hbm, out_hbm, tile0, tile1, feat_v, emb_v, sem0, sem1):
        cid = lax.axis_index("c")
        sid = lax.axis_index("s")
        wid = sid * NC + cid
        b = wid // wpb
        i0 = (wid % wpb) * n_per_w

        tiles = (tile0, tile1)
        sems = (sem0, sem1)

        pltpu.sync_copy(feat_hbm.at[b, pl.ds(i0, n_per_w)], feat_v)
        pltpu.sync_copy(emb_hbm.at[b], emb_v)

        def place(tile):
            @functools.partial(plsc.parallel_loop, 0, R, unroll=4)
            def _(j):
                for k in range(d2 // _L):
                    tile[j, pl.ds(d1 + k * _L, _L)] = emb_v[j, pl.ds(k * _L, _L)]

        def build(tile, i):
            vs = [feat_v[i, pl.ds(k * _L, _L)] for k in range(d1 // _L)]

            @functools.partial(plsc.parallel_loop, 0, R, unroll=8)
            def _(j):
                for k in range(d1 // _L):
                    tile[j, pl.ds(k * _L, _L)] = vs[k]

        for i in range(n_per_w):
            buf = i % 2
            if i < 2:
                place(tiles[buf])
            else:
                pltpu.make_async_copy(
                    tiles[buf], out_hbm.at[b, i0 + (i - 2)], sems[buf]
                ).wait()
            build(tiles[buf], i)
            pltpu.async_copy(tiles[buf], out_hbm.at[b, i0 + i], sems[buf])

        for i in (n_per_w - 2, n_per_w - 1):
            pltpu.make_async_copy(
                tiles[i % 2], out_hbm.at[b, i0 + i], sems[i % 2]
            ).wait()

    return merge(features, embedding_list)

# --- scband reference (transcript-rebuilt; emitter-appended) ---
"""Pipeline reference for scband-merge-sn-e1-75496935129554 (READ-ONLY COPY).

The authoritative reference and input builder live on the scoring server;
editing this copy changes nothing except your own understanding.
"""

import jax, jax.numpy as jnp
import numpy as np


def setup_inputs(seed: int = 0) -> dict:
    key = jax.random.key(seed)
    k1, k2 = jax.random.split(key)
    features = jax.random.normal(k1, (4, 256, 64), dtype=jnp.float32)
    # embedding_list: originally a list of per-sample [N_resid, d2] tensors padded
    # with pad_sequence; here all sequences share N_resid so it is a dense [B, N_resid, d2].
    embedding_list = jax.random.normal(k2, (4, 256, 64), dtype=jnp.float32)
    return {"features": features, "embedding_list": embedding_list}


def reference(features, embedding_list):
    # pad_sequence(embedding_list, batch_first=True) -> identity here (equal lengths)
    embedding = embedding_list
    B = features.shape[0]
    N_nodes = features.shape[1]
    N_resid = embedding.shape[1]
    d1 = features.shape[2]
    d2 = embedding.shape[2]
    # torch.stack([features]*N_resid, dim=2) == broadcast along new axis 2
    nodes_expanded = jnp.broadcast_to(features[:, :, None, :], (B, N_nodes, N_resid, d1))
    # torch.stack([embedding]*N_nodes, dim=1) == broadcast along new axis 1
    embed_expanded = jnp.broadcast_to(embedding[:, None, :, :], (B, N_nodes, N_resid, d2))
    full_features = jnp.concatenate((nodes_expanded, embed_expanded), axis=3)
    return full_features

if __name__ == "__main__":
    import jax
    _d = setup_inputs()
    print(jax.jit(kernel)(*tuple(_d.values())))

</pallas_src>

<mosaic_0001>
#map = affine_map<(d0, d1) -> (0, 0, 0)>
#map1 = affine_map<(d0, d1) -> (0, 0, 0, 0)>
module attributes {stable_mosaic.version = 14 : i64} {
  func.func @merge(%arg0: i32, %arg1: i32, %arg2: memref<4x256x64xf32, #tpu.memory_space<hbm>>, %arg3: memref<4x256x64xf32, #tpu.memory_space<hbm>>, %arg4: memref<4x256x256x128xf32, #tpu.memory_space<hbm>>, %arg5: memref<256x128xf32, #tpu.memory_space<vmem>>, %arg6: memref<256x128xf32, #tpu.memory_space<vmem>>, %arg7: memref<32x64xf32, #tpu.memory_space<vmem>>, %arg8: memref<256x64xf32, #tpu.memory_space<vmem>>, %arg9: memref<!tpu.dma_semaphore, #tpu.memory_space<semaphore_mem>>, %arg10: memref<!tpu.dma_semaphore, #tpu.memory_space<semaphore_mem>>) attributes {dimension_semantics = [#tpu.dimension_semantics<core_parallel>, #tpu.dimension_semantics<subcore_parallel>], iteration_bounds = array<i64: 2, 16>, scalar_prefetch = 0 : i64, scratch_operands = 6 : i64, tpu.core_type = #tpu.core_type<sc_vector_subcore>, window_params = [{transform_indices = #map}, {transform_indices = #map}, {transform_indices = #map1}]} {
    %mul3A = arith.constant 2 : i32
    %mul3A_0 = arith.muli %arg1, %mul3A : i32
    %add3A = arith.addi %mul3A_0, %arg0 : i32
    %jit3A = arith.constant 8 : i32
    %div3A = arith.divsi %add3A, %jit3A : i32
    %sign3A = arith.constant 0 : i32
    %sign3A_1 = arith.cmpi sgt, %add3A, %sign3A : i32
    %sign3A_2 = arith.extui %sign3A_1 : i1 to i32
    %sign3A_3 = arith.constant 0 : i32
    %sign3A_4 = arith.cmpi slt, %add3A, %sign3A_3 : i32
    %sign3A_5 = arith.extui %sign3A_4 : i1 to i32
    %sign3A_6 = arith.subi %sign3A_2, %sign3A_5 : i32
    %sign3A_7 = arith.constant 0 : i32
    %sign3A_8 = arith.cmpi sgt, %jit3A, %sign3A_7 : i32
    %sign3A_9 = arith.extui %sign3A_8 : i1 to i32
    %sign3A_10 = arith.constant 0 : i32
    %sign3A_11 = arith.cmpi slt, %jit3A, %sign3A_10 : i32
    %sign3A_12 = arith.extui %sign3A_11 : i1 to i32
    %sign3A_13 = arith.subi %sign3A_9, %sign3A_12 : i32
    %ne3A = arith.cmpi ne, %sign3A_6, %sign3A_13 : i32
    %rem3A = arith.remsi %add3A, %jit3A : i32
    %ne3A_14 = arith.constant 0 : i32
    %ne3A_15 = arith.cmpi ne, %rem3A, %ne3A_14 : i32
    %and3A = arith.andi %ne3A, %ne3A_15 : i1
    %sub3A = arith.constant 1 : i32
    %sub3A_16 = arith.subi %div3A, %sub3A : i32
    %select_n3A = arith.select %and3A, %sub3A_16, %div3A : i32
    %jit3A_17 = arith.constant 8 : i32
    %eq3A = arith.constant 0 : i32
    %eq3A_18 = arith.cmpi eq, %jit3A_17, %eq3A : i32
    %jit3A_19 = arith.constant 1 : i32
    %select_n3A_20 = arith.select %eq3A_18, %jit3A_19, %jit3A_17 : i32
    %rem3A_21 = arith.remsi %add3A, %select_n3A_20 : i32
    %ne3A_22 = arith.constant 0 : i32
    %ne3A_23 = arith.cmpi ne, %rem3A_21, %ne3A_22 : i32
    %lt3A = arith.constant 0 : i32
    %lt3A_24 = arith.cmpi slt, %rem3A_21, %lt3A : i32
    %lt3A_25 = arith.constant 0 : i32
    %lt3A_26 = arith.cmpi slt, %select_n3A_20, %lt3A_25 : i32
    %ne3A_27 = arith.xori %lt3A_24, %lt3A_26 : i1
    %and3A_28 = arith.andi %ne3A_27, %ne3A_23 : i1
    %add3A_29 = arith.addi %rem3A_21, %select_n3A_20 : i32
    %select_n3A_30 = arith.select %and3A_28, %add3A_29, %rem3A_21 : i32
    %mul3A_31 = arith.constant 32 : i32
    %mul3A_32 = arith.muli %select_n3A_30, %mul3A_31 : i32
    "tpu.region"() ({
      %run_scoped3A = tpu.sem_alloc : memref<!tpu.dma_semaphore, #tpu.memory_space<semaphore_mem>>
      %dma_start3A_1310 = arith.constant 0 : i32
      %dma_start3A_1311 = tpu.memref_slice %arg2[%select_n3A, %mul3A_32, %dma_start3A_1310] : memref<4x256x64xf32, #tpu.memory_space<hbm>> -> memref<1x32x64xf32, #tpu.memory_space<hbm>>
      %dma_start3A_1312 = tpu.memref_squeeze %dma_start3A_1311 : memref<1x32x64xf32, #tpu.memory_space<hbm>> -> memref<32x64xf32, #tpu.memory_space<hbm>>
      %dma_start3A_1313 = arith.constant 0 : i32
      %dma_start3A_1314 = tpu.memref_slice %arg2[%select_n3A, %mul3A_32, %dma_start3A_1313] : memref<4x256x64xf32, #tpu.memory_space<hbm>> -> memref<1x32x64xf32, #tpu.memory_space<hbm>>
      %dma_start3A_1315 = tpu.memref_squeeze %dma_start3A_1314 : memref<1x32x64xf32, #tpu.memory_space<hbm>> -> memref<32x64xf32, #tpu.memory_space<hbm>>
      tpu.enqueue_dma source(%dma_start3A_1315 : memref<32x64xf32, #tpu.memory_space<hbm>>) target(%arg7 : memref<32x64xf32, #tpu.memory_space<vmem>>) target_semaphore(%run_scoped3A : memref<!tpu.dma_semaphore, #tpu.memory_space<semaphore_mem>>)
      %dma_wait3A_1316 = arith.constant 0 : i32
      %dma_wait3A_1317 = tpu.memref_slice %arg2[%select_n3A, %mul3A_32, %dma_wait3A_1316] : memref<4x256x64xf32, #tpu.memory_space<hbm>> -> memref<1x32x64xf32, #tpu.memory_space<hbm>>
      %dma_wait3A_1318 = tpu.memref_squeeze %dma_wait3A_1317 : memref<1x32x64xf32, #tpu.memory_space<hbm>> -> memref<32x64xf32, #tpu.memory_space<hbm>>
      %dma_wait3A_1319 = arith.constant 0 : i32
      %dma_wait3A_1320 = tpu.memref_slice %arg2[%select_n3A, %mul3A_32, %dma_wait3A_1319] : memref<4x256x64xf32, #tpu.memory_space<hbm>> -> memref<1x32x64xf32, #tpu.memory_space<hbm>>
      %dma_wait3A_1321 = tpu.memref_squeeze %dma_wait3A_1320 : memref<1x32x64xf32, #tpu.memory_space<hbm>> -> memref<32x64xf32, #tpu.memory_space<hbm>>
      tpu.wait_dma2 semaphore(%run_scoped3A : memref<!tpu.dma_semaphore, #tpu.memory_space<semaphore_mem>>) src(%dma_wait3A_1321 : memref<32x64xf32, #tpu.memory_space<hbm>>) dst(%arg7 : memref<32x64xf32, #tpu.memory_space<vmem>>)
      tpu.yield
    }) : () -> ()
    "tpu.region"() ({
      %run_scoped3A = tpu.sem_alloc : memref<!tpu.dma_semaphore, #tpu.memory_space<semaphore_mem>>
      %dma_start3A_1310 = arith.constant 0 : i32
      %dma_start3A_1311 = arith.constant 0 : i32
      %dma_start3A_1312 = tpu.memref_slice %arg3[%select_n3A, %dma_start3A_1310, %dma_start3A_1311] : memref<4x256x64xf32, #tpu.memory_space<hbm>> -> memref<1x256x64xf32, #tpu.memory_space<hbm>>
      %dma_start3A_1313 = tpu.memref_squeeze %dma_start3A_1312 : memref<1x256x64xf32, #tpu.memory_space<hbm>> -> memref<256x64xf32, #tpu.memory_space<hbm>>
      %dma_start3A_1314 = arith.constant 0 : i32
      %dma_start3A_1315 = arith.constant 0 : i32
      %dma_start3A_1316 = tpu.memref_slice %arg3[%select_n3A, %dma_start3A_1314, %dma_start3A_1315] : memref<4x256x64xf32, #tpu.memory_space<hbm>> -> memref<1x256x64xf32, #tpu.memory_space<hbm>>
      %dma_start3A_1317 = tpu.memref_squeeze %dma_start3A_1316 : memref<1x256x64xf32, #tpu.memory_space<hbm>> -> memref<256x64xf32, #tpu.memory_space<hbm>>
      tpu.enqueue_dma source(%dma_start3A_1317 : memref<256x64xf32, #tpu.memory_space<hbm>>) target(%arg8 : memref<256x64xf32, #tpu.memory_space<vmem>>) target_semaphore(%run_scoped3A : memref<!tpu.dma_semaphore, #tpu.memory_space<semaphore_mem>>)
      %dma_wait3A_1318 = arith.constant 0 : i32
      %dma_wait3A_1319 = arith.constant 0 : i32
      %dma_wait3A_1320 = tpu.memref_slice %arg3[%select_n3A, %dma_wait3A_1318, %dma_wait3A_1319] : memref<4x256x64xf32, #tpu.memory_space<hbm>> -> memref<1x256x64xf32, #tpu.memory_space<hbm>>
      %dma_wait3A_1321 = tpu.memref_squeeze %dma_wait3A_1320 : memref<1x256x64xf32, #tpu.memory_space<hbm>> -> memref<256x64xf32, #tpu.memory_space<hbm>>
      %dma_wait3A_1322 = arith.constant 0 : i32
      %dma_wait3A_1323 = arith.constant 0 : i32
      %dma_wait3A_1324 = tpu.memref_slice %arg3[%select_n3A, %dma_wait3A_1322, %dma_wait3A_1323] : memref<4x256x64xf32, #tpu.memory_space<hbm>> -> memref<1x256x64xf32, #tpu.memory_space<hbm>>
      %dma_wait3A_1325 = tpu.memref_squeeze %dma_wait3A_1324 : memref<1x256x64xf32, #tpu.memory_space<hbm>> -> memref<256x64xf32, #tpu.memory_space<hbm>>
      tpu.wait_dma2 semaphore(%run_scoped3A : memref<!tpu.dma_semaphore, #tpu.memory_space<semaphore_mem>>) src(%dma_wait3A_1325 : memref<256x64xf32, #tpu.memory_space<hbm>>) dst(%arg8 : memref<256x64xf32, #tpu.memory_space<vmem>>)
      tpu.yield
    }) : () -> ()
    %get3A = arith.constant 0 : i32
    %get3A_33 = arith.index_cast %get3A : i32 to index
    %get3A_34 = arith.constant 0 : index
    %get3A_35 = tpu.vector_load %arg7[%get3A_33, %get3A_34] {strides = array<i32>} : memref<32x64xf32, #tpu.memory_space<vmem>>, vector<1x16xf32>,
    %get3A_36 = vector.shape_cast %get3A_35 : vector<1x16xf32> to vector<16xf32>
    %get3A_37 = arith.constant 0 : i32
    %get3A_38 = arith.index_cast %get3A_37 : i32 to index
    %get3A_39 = arith.constant 16 : index
    %get3A_40 = tpu.vector_load %arg7[%get3A_38, %get3A_39] {strides = array<i32>} : memref<32x64xf32, #tpu.memory_space<vmem>>, vector<1x16xf32>,
    %get3A_41 = vector.shape_cast %get3A_40 : vector<1x16xf32> to vector<16xf32>
    %get3A_42 = arith.constant 0 : i32
    %get3A_43 = arith.index_cast %get3A_42 : i32 to index
    %get3A_44 = arith.constant 32 : index
    %get3A_45 = tpu.vector_load %arg7[%get3A_43, %get3A_44] {strides = array<i32>} : memref<32x64xf32, #tpu.memory_space<vmem>>, vector<1x16xf32>,
    %get3A_46 = vector.shape_cast %get3A_45 : vector<1x16xf32> to vector<16xf32>
    %get3A_47 = arith.constant 0 : i32
    %get3A_48 = arith.index_cast %get3A_47 : i32 to index
    %get3A_49 = arith.constant 48 : index
    %get3A_50 = tpu.vector_load %arg7[%get3A_48, %get3A_49] {strides = array<i32>} : memref<32x64xf32, #tpu.memory_space<vmem>>, vector<1x16xf32>,
    %get3A_51 = vector.shape_cast %get3A_50 : vector<1x16xf32> to vector<16xf32>
    %add3A_52 = arith.constant 0 : i32
    %add3A_53 = arith.addi %mul3A_32, %add3A_52 : i32
    %dma_start3A = arith.constant 0 : i32
    %dma_start3A_54 = arith.constant 0 : i32
    %dma_start3A_55 = tpu.memref_slice %arg4[%select_n3A, %add3A_53, %dma_start3A, %dma_start3A_54] : memref<4x256x256x128xf32, #tpu.memory_space<hbm>> -> memref<1x1x256x128xf32, #tpu.memory_space<hbm>>
    %dma_start3A_56 = tpu.memref_squeeze %dma_start3A_55 : memref<1x1x256x128xf32, #tpu.memory_space<hbm>> -> memref<256x128xf32, #tpu.memory_space<hbm>>
    %dma_start3A_57 = arith.constant 0 : i32
    %dma_start3A_58 = arith.constant 0 : i32
    %dma_start3A_59 = tpu.memref_slice %arg4[%select_n3A, %add3A_53, %dma_start3A_57, %dma_start3A_58] : memref<4x256x256x128xf32, #tpu.memory_space<hbm>> -> memref<1x1x256x128xf32, #tpu.memory_space<hbm>>
    %dma_start3A_60 = tpu.memref_squeeze %dma_start3A_59 : memref<1x1x256x128xf32, #tpu.memory_space<hbm>> -> memref<256x128xf32, #tpu.memory_space<hbm>>
    tpu.enqueue_dma source(%arg5 : memref<256x128xf32, #tpu.memory_space<vmem>>) target(%dma_start3A_60 : memref<256x128xf32, #tpu.memory_space<hbm>>) target_semaphore(%arg9 : memref<!tpu.dma_semaphore, #tpu.memory_space<semaphore_mem>>)
    %get3A_61 = arith.constant 1 : i32
    %get3A_62 = arith.index_cast %get3A_61 : i32 to index
    %get3A_63 = arith.constant 0 : index
    %get3A_64 = tpu.vector_load %arg7[%get3A_62, %get3A_63] {strides = array<i32>} : memref<32x64xf32, #tpu.memory_space<vmem>>, vector<1x16xf32>,
    %get3A_65 = vector.shape_cast %get3A_64 : vector<1x16xf32> to vector<16xf32>
    %get3A_66 = arith.constant 1 : i32
    %get3A_67 = arith.index_cast %get3A_66 : i32 to index
    %get3A_68 = arith.constant 16 : index
    %get3A_69 = tpu.vector_load %arg7[%get3A_67, %get3A_68] {strides = array<i32>} : memref<32x64xf32, #tpu.memory_space<vmem>>, vector<1x16xf32>,
    %get3A_70 = vector.shape_cast %get3A_69 : vector<1x16xf32> to vector<16xf32>
    %get3A_71 = arith.constant 1 : i32
    %get3A_72 = arith.index_cast %get3A_71 : i32 to index
    %get3A_73 = arith.constant 32 : index
    %get3A_74 = tpu.vector_load %arg7[%get3A_72, %get3A_73] {strides = array<i32>} : memref<32x64xf32, #tpu.memory_space<vmem>>, vector<1x16xf32>,
    %get3A_75 = vector.shape_cast %get3A_74 : vector<1x16xf32> to vector<16xf32>
    %get3A_76 = arith.constant 1 : i32
    %get3A_77 = arith.index_cast %get3A_76 : i32 to index
    %get3A_78 = arith.constant 48 : index
    %get3A_79 = tpu.vector_load %arg7[%get3A_77, %get3A_78] {strides = array<i32>} : memref<32x64xf32, #tpu.memory_space<vmem>>, vector<1x16xf32>,
    %get3A_80 = vector.shape_cast %get3A_79 : vector<1x16xf32> to vector<16xf32>
    %add3A_81 = arith.constant 1 : i32
    %add3A_82 = arith.addi %mul3A_32, %add3A_81 : i32
    %dma_start3A_83 = arith.constant 0 : i32
    %dma_start3A_84 = arith.constant 0 : i32
    %dma_start3A_85 = tpu.memref_slice %arg4[%select_n3A, %add3A_82, %dma_start3A_83, %dma_start3A_84] : memref<4x256x256x128xf32, #tpu.memory_space<hbm>> -> memref<1x1x256x128xf32, #tpu.memory_space<hbm>>
    %dma_start3A_86 = tpu.memref_squeeze %dma_start3A_85 : memref<1x1x256x128xf32, #tpu.memory_space<hbm>> -> memref<256x128xf32, #tpu.memory_space<hbm>>
    %dma_start3A_87 = arith.constant 0 : i32
    %dma_start3A_88 = arith.constant 0 : i32
    %dma_start3A_89 = tpu.memref_slice %arg4[%select_n3A, %add3A_82, %dma_start3A_87, %dma_start3A_88] : memref<4x256x256x128xf32, #tpu.memory_space<hbm>> -> memref<1x1x256x128xf32, #tpu.memory_space<hbm>>
    %dma_start3A_90 = tpu.memref_squeeze %dma_start3A_89 : memref<1x1x256x128xf32, #tpu.memory_space<hbm>> -> memref<256x128xf32, #tpu.memory_space<hbm>>
    tpu.enqueue_dma source(%arg6 : memref<256x128xf32, #tpu.memory_space<vmem>>) target(%dma_start3A_90 : memref<256x128xf32, #tpu.memory_space<hbm>>) target_semaphore(%arg10 : memref<!tpu.dma_semaphore, #tpu.memory_space<semaphore_mem>>)
    %add3A_91 = arith.constant 0 : i32
    %add3A_92 = arith.addi %mul3A_32, %add3A_91 : i32
    %dma_wait3A = arith.constant 0 : i32
    %dma_wait3A_93 = arith.constant 0 : i32
    %dma_wait3A_94 = tpu.memref_slice %arg4[%select_n3A, %add3A_92, %dma_wait3A, %dma_wait3A_93] : memref<4x256x256x128xf32, #tpu.memory_space<hbm>> -> memref<1x1x256x128xf32, #tpu.memory_space<hbm>>
    %dma_wait3A_95 = tpu.memref_squeeze %dma_wait3A_94 : memref<1x1x256x128xf32, #tpu.memory_space<hbm>> -> memref<256x128xf32, #tpu.memory_space<hbm>>
    %dma_wait3A_96 = arith.constant 0 : i32
    %dma_wait3A_97 = arith.constant 0 : i32
    %dma_wait3A_98 = tpu.memref_slice %arg4[%select_n3A, %add3A_92, %dma_wait3A_96, %dma_wait3A_97] : memref<4x256x256x128xf32, #tpu.memory_space<hbm>> -> memref<1x1x256x128xf32, #tpu.memory_space<hbm>>
    %dma_wait3A_99 = tpu.memref_squeeze %dma_wait3A_98 : memref<1x1x256x128xf32, #tpu.memory_space<hbm>> -> memref<256x128xf32, #tpu.memory_space<hbm>>
    tpu.wait_dma2 semaphore(%arg9 : memref<!tpu.dma_semaphore, #tpu.memory_space<semaphore_mem>>) src(%arg5 : memref<256x128xf32, #tpu.memory_space<vmem>>) dst(%dma_wait3A_99 : memref<256x128xf32, #tpu.memory_space<hbm>>)
    %get3A_100 = arith.constant 2 : i32
    %get3A_101 = arith.index_cast %get3A_100 : i32 to index
    %get3A_102 = arith.constant 0 : index
    %get3A_103 = tpu.vector_load %arg7[%get3A_101, %get3A_102] {strides = array<i32>} : memref<32x64xf32, #tpu.memory_space<vmem>>, vector<1x16xf32>,
    %get3A_104 = vector.shape_cast %get3A_103 : vector<1x16xf32> to vector<16xf32>
    %get3A_105 = arith.constant 2 : i32
    %get3A_106 = arith.index_cast %get3A_105 : i32 to index
    %get3A_107 = arith.constant 16 : index
    %get3A_108 = tpu.vector_load %arg7[%get3A_106, %get3A_107] {strides = array<i32>} : memref<32x64xf32, #tpu.memory_space<vmem>>, vector<1x16xf32>,
    %get3A_109 = vector.shape_cast %get3A_108 : vector<1x16xf32> to vector<16xf32>
    %get3A_110 = arith.constant 2 : i32
    %get3A_111 = arith.index_cast %get3A_110 : i32 to index
    %get3A_112 = arith.constant 32 : index
    %get3A_113 = tpu.vector_load %arg7[%get3A_111, %get3A_112] {strides = array<i32>} : memref<32x64xf32, #tpu.memory_space<vmem>>, vector<1x16xf32>,
    %get3A_114 = vector.shape_cast %get3A_113 : vector<1x16xf32> to vector<16xf32>
    %get3A_115 = arith.constant 2 : i32
    %get3A_116 = arith.index_cast %get3A_115 : i32 to index
    %get3A_117 = arith.constant 48 : index
    %get3A_118 = tpu.vector_load %arg7[%get3A_116, %get3A_117] {strides = array<i32>} : memref<32x64xf32, #tpu.memory_space<vmem>>, vector<1x16xf32>,
    %get3A_119 = vector.shape_cast %get3A_118 : vector<1x16xf32> to vector<16xf32>
    %add3A_120 = arith.constant 2 : i32
    %add3A_121 = arith.addi %mul3A_32, %add3A_120 : i32
    %dma_start3A_122 = arith.constant 0 : i32
    %dma_start3A_123 = arith.constant 0 : i32
    %dma_start3A_124 = tpu.memref_slice %arg4[%select_n3A, %add3A_121, %dma_start3A_122, %dma_start3A_123] : memref<4x256x256x128xf32, #tpu.memory_space<hbm>> -> memref<1x1x256x128xf32, #tpu.memory_space<hbm>>
    %dma_start3A_125 = tpu.memref_squeeze %dma_start3A_124 : memref<1x1x256x128xf32, #tpu.memory_space<hbm>> -> memref<256x128xf32, #tpu.memory_space<hbm>>
    %dma_start3A_126 = arith.constant 0 : i32
    %dma_start3A_127 = arith.constant 0 : i32
    %dma_start3A_128 = tpu.memref_slice %arg4[%select_n3A, %add3A_121, %dma_start3A_126, %dma_start3A_127] : memref<4x256x256x128xf32, #tpu.memory_space<hbm>> -> memref<1x1x256x128xf32, #tpu.memory_space<hbm>>
    %dma_start3A_129 = tpu.memref_squeeze %dma_start3A_128 : memref<1x1x256x128xf32, #tpu.memory_space<hbm>> -> memref<256x128xf32, #tpu.memory_space<hbm>>
    tpu.enqueue_dma source(%arg5 : memref<256x128xf32, #tpu.memory_space<vmem>>) target(%dma_start3A_129 : memref<256x128xf32, #tpu.memory_space<hbm>>) target_semaphore(%arg9 : memref<!tpu.dma_semaphore, #tpu.memory_space<semaphore_mem>>)
    %add3A_130 = arith.constant 1 : i32
    %add3A_131 = arith.addi %mul3A_32, %add3A_130 : i32
    %dma_wait3A_132 = arith.constant 0 : i32
    %dma_wait3A_133 = arith.constant 0 : i32
    %dma_wait3A_134 = tpu.memref_slice %arg4[%select_n3A, %add3A_131, %dma_wait3A_132, %dma_wait3A_133] : memref<4x256x256x128xf32, #tpu.memory_space<hbm>> -> memref<1x1x256x128xf32, #tpu.memory_space<hbm>>
    %dma_wait3A_135 = tpu.memref_squeeze %dma_wait3A_134 : memref<1x1x256x128xf32, #tpu.memory_space<hbm>> -> memref<256x128xf32, #tpu.memory_space<hbm>>
    %dma_wait3A_136 = arith.constant 0 : i32
    %dma_wait3A_137 = arith.constant 0 : i32
    %dma_wait3A_138 = tpu.memref_slice %arg4[%select_n3A, %add3A_131, %dma_wait3A_136, %dma_wait3A_137] : memref<4x256x256x128xf32, #tpu.memory_space<hbm>> -> memref<1x1x256x128xf32, #tpu.memory_space<hbm>>
    %dma_wait3A_139 = tpu.memref_squeeze %dma_wait3A_138 : memref<1x1x256x128xf32, #tpu.memory_space<hbm>> -> memref<256x128xf32, #tpu.memory_space<hbm>>
    tpu.wait_dma2 semaphore(%arg10 : memref<!tpu.dma_semaphore, #tpu.memory_space<semaphore_mem>>) src(%arg6 : memref<256x128xf32, #tpu.memory_space<vmem>>) dst(%dma_wait3A_139 : memref<256x128xf32, #tpu.memory_space<hbm>>)
    %get3A_140 = arith.constant 3 : i32
    %get3A_141 = arith.index_cast %get3A_140 : i32 to index
    %get3A_142 = arith.constant 0 : index
    %get3A_143 = tpu.vector_load %arg7[%get3A_141, %get3A_142] {strides = array<i32>} : memref<32x64xf32, #tpu.memory_space<vmem>>, vector<1x16xf32>,
    %get3A_144 = vector.shape_cast %get3A_143 : vector<1x16xf32> to vector<16xf32>
    %get3A_145 = arith.constant 3 : i32
    %get3A_146 = arith.index_cast %get3A_145 : i32 to index
    %get3A_147 = arith.constant 16 : index
    %get3A_148 = tpu.vector_load %arg7[%get3A_146, %get3A_147] {strides = array<i32>} : memref<32x64xf32, #tpu.memory_space<vmem>>, vector<1x16xf32>,
    %get3A_149 = vector.shape_cast %get3A_148 : vector<1x16xf32> to vector<16xf32>
    %get3A_150 = arith.constant 3 : i32
    %get3A_151 = arith.index_cast %get3A_150 : i32 to index
    %get3A_152 = arith.constant 32 : index
    %get3A_153 = tpu.vector_load %arg7[%get3A_151, %get3A_152] {strides = array<i32>} : memref<32x64xf32, #tpu.memory_space<vmem>>, vector<1x16xf32>,
    %get3A_154 = vector.shape_cast %get3A_153 : vector<1x16xf32> to vector<16xf32>
    %get3A_155 = arith.constant 3 : i32
    %get3A_156 = arith.index_cast %get3A_155 : i32 to index
    %get3A_157 = arith.constant 48 : index
    %get3A_158 = tpu.vector_load %arg7[%get3A_156, %get3A_157] {strides = array<i32>} : memref<32x64xf32, #tpu.memory_space<vmem>>, vector<1x16xf32>,
    %get3A_159 = vector.shape_cast %get3A_158 : vector<1x16xf32> to vector<16xf32>
    %add3A_160 = arith.constant 3 : i32
    %add3A_161 = arith.addi %mul3A_32, %add3A_160 : i32
    %dma_start3A_162 = arith.constant 0 : i32
    %dma_start3A_163 = arith.constant 0 : i32
    %dma_start3A_164 = tpu.memref_slice %arg4[%select_n3A, %add3A_161, %dma_start3A_162, %dma_start3A_163] : memref<4x256x256x128xf32, #tpu.memory_space<hbm>> -> memref<1x1x256x128xf32, #tpu.memory_space<hbm>>
    %dma_start3A_165 = tpu.memref_squeeze %dma_start3A_164 : memref<1x1x256x128xf32, #tpu.memory_space<hbm>> -> memref<256x128xf32, #tpu.memory_space<hbm>>
    %dma_start3A_166 = arith.constant 0 : i32
    %dma_start3A_167 = arith.constant 0 : i32
    %dma_start3A_168 = tpu.memref_slice %arg4[%select_n3A, %add3A_161, %dma_start3A_166, %dma_start3A_167] : memref<4x256x256x128xf32, #tpu.memory_space<hbm>> -> memref<1x1x256x128xf32, #tpu.memory_space<hbm>>
    %dma_start3A_169 = tpu.memref_squeeze %dma_start3A_168 : memref<1x1x256x128xf32, #tpu.memory_space<hbm>> -> memref<256x128xf32, #tpu.memory_space<hbm>>
    tpu.enqueue_dma source(%arg6 : memref<256x128xf32, #tpu.memory_space<vmem>>) target(%dma_start3A_169 : memref<256x128xf32, #tpu.memory_space<hbm>>) target_semaphore(%arg10 : memref<!tpu.dma_semaphore, #tpu.memory_space<semaphore_mem>>)
    %add3A_170 = arith.constant 2 : i32
    %add3A_171 = arith.addi %mul3A_32, %add3A_170 : i32
    %dma_wait3A_172 = arith.constant 0 : i32
    %dma_wait3A_173 = arith.constant 0 : i32
    %dma_wait3A_174 = tpu.memref_slice %arg4[%select_n3A, %add3A_171, %dma_wait3A_172, %dma_wait3A_173] : memref<4x256x256x128xf32, #tpu.memory_space<hbm>> -> memref<1x1x256x128xf32, #tpu.memory_space<hbm>>
    %dma_wait3A_175 = tpu.memref_squeeze %dma_wait3A_174 : memref<1x1x256x128xf32, #tpu.memory_space<hbm>> -> memref<256x128xf32, #tpu.memory_space<hbm>>
    %dma_wait3A_176 = arith.constant 0 : i32
    %dma_wait3A_177 = arith.constant 0 : i32
    %dma_wait3A_178 = tpu.memref_slice %arg4[%select_n3A, %add3A_171, %dma_wait3A_176, %dma_wait3A_177] : memref<4x256x256x128xf32, #tpu.memory_space<hbm>> -> memref<1x1x256x128xf32, #tpu.memory_space<hbm>>
    %dma_wait3A_179 = tpu.memref_squeeze %dma_wait3A_178 : memref<1x1x256x128xf32, #tpu.memory_space<hbm>> -> memref<256x128xf32, #tpu.memory_space<hbm>>
    tpu.wait_dma2 semaphore(%arg9 : memref<!tpu.dma_semaphore, #tpu.memory_space<semaphore_mem>>) src(%arg5 : memref<256x128xf32, #tpu.memory_space<vmem>>) dst(%dma_wait3A_179 : memref<256x128xf32, #tpu.memory_space<hbm>>)
    %get3A_180 = arith.constant 4 : i32
    %get3A_181 = arith.index_cast %get3A_180 : i32 to index
    %get3A_182 = arith.constant 0 : index
    %get3A_183 = tpu.vector_load %arg7[%get3A_181, %get3A_182] {strides = array<i32>} : memref<32x64xf32, #tpu.memory_space<vmem>>, vector<1x16xf32>,
    %get3A_184 = vector.shape_cast %get3A_183 : vector<1x16xf32> to vector<16xf32>
    %get3A_185 = arith.constant 4 : i32
    %get3A_186 = arith.index_cast %get3A_185 : i32 to index
    %get3A_187 = arith.constant 16 : index
    %get3A_188 = tpu.vector_load %arg7[%get3A_186, %get3A_187] {strides = array<i32>} : memref<32x64xf32, #tpu.memory_space<vmem>>, vector<1x16xf32>,
    %get3A_189 = vector.shape_cast %get3A_188 : vector<1x16xf32> to vector<16xf32>
    %get3A_190 = arith.constant 4 : i32
    %get3A_191 = arith.index_cast %get3A_190 : i32 to index
    %get3A_192 = arith.constant 32 : index
    %get3A_193 = tpu.vector_load %arg7[%get3A_191, %get3A_192] {strides = array<i32>} : memref<32x64xf32, #tpu.memory_space<vmem>>, vector<1x16xf32>,
    %get3A_194 = vector.shape_cast %get3A_193 : vector<1x16xf32> to vector<16xf32>
    %get3A_195 = arith.constant 4 : i32
    %get3A_196 = arith.index_cast %get3A_195 : i32 to index
    %get3A_197 = arith.constant 48 : index
    %get3A_198 = tpu.vector_load %arg7[%get3A_196, %get3A_197] {strides = array<i32>} : memref<32x64xf32, #tpu.memory_space<vmem>>, vector<1x16xf32>,
    %get3A_199 = vector.shape_cast %get3A_198 : vector<1x16xf32> to vector<16xf32>
    %add3A_200 = arith.constant 4 : i32
    %add3A_201 = arith.addi %mul3A_32, %add3A_200 : i32
    %dma_start3A_202 = arith.constant 0 : i32
    %dma_start3A_203 = arith.constant 0 : i32
    %dma_start3A_204 = tpu.memref_slice %arg4[%select_n3A, %add3A_201, %dma_start3A_202, %dma_start3A_203] : memref<4x256x256x128xf32, #tpu.memory_space<hbm>> -> memref<1x1x256x128xf32, #tpu.memory_space<hbm>>
    %dma_start3A_205 = tpu.memref_squeeze %dma_start3A_204 : memref<1x1x256x128xf32, #tpu.memory_space<hbm>> -> memref<256x128xf32, #tpu.memory_space<hbm>>
    %dma_start3A_206 = arith.constant 0 : i32
    %dma_start3A_207 = arith.constant 0 : i32
    %dma_start3A_208 = tpu.memref_slice %arg4[%select_n3A, %add3A_201, %dma_start3A_206, %dma_start3A_207] : memref<4x256x256x128xf32, #tpu.memory_space<hbm>> -> memref<1x1x256x128xf32, #tpu.memory_space<hbm>>
    %dma_start3A_209 = tpu.memref_squeeze %dma_start3A_208 : memref<1x1x256x128xf32, #tpu.memory_space<hbm>> -> memref<256x128xf32, #tpu.memory_space<hbm>>
    tpu.enqueue_dma source(%arg5 : memref<256x128xf32, #tpu.memory_space<vmem>>) target(%dma_start3A_209 : memref<256x128xf32, #tpu.memory_space<hbm>>) target_semaphore(%arg9 : memref<!tpu.dma_semaphore, #tpu.memory_space<semaphore_mem>>)
    %add3A_210 = arith.constant 3 : i32
    %add3A_211 = arith.addi %mul3A_32, %add3A_210 : i32
    %dma_wait3A_212 = arith.constant 0 : i32
    %dma_wait3A_213 = arith.constant 0 : i32
    %dma_wait3A_214 = tpu.memref_slice %arg4[%select_n3A, %add3A_211, %dma_wait3A_212, %dma_wait3A_213] : memref<4x256x256x128xf32, #tpu.memory_space<hbm>> -> memref<1x1x256x128xf32, #tpu.memory_space<hbm>>
    %dma_wait3A_215 = tpu.memref_squeeze %dma_wait3A_214 : memref<1x1x256x128xf32, #tpu.memory_space<hbm>> -> memref<256x128xf32, #tpu.memory_space<hbm>>
    %dma_wait3A_216 = arith.constant 0 : i32
    %dma_wait3A_217 = arith.constant 0 : i32
    %dma_wait3A_218 = tpu.memref_slice %arg4[%select_n3A, %add3A_211, %dma_wait3A_216, %dma_wait3A_217] : memref<4x256x256x128xf32, #tpu.memory_space<hbm>> -> memref<1x1x256x128xf32, #tpu.memory_space<hbm>>
    %dma_wait3A_219 = tpu.memref_squeeze %dma_wait3A_218 : memref<1x1x256x128xf32, #tpu.memory_space<hbm>> -> memref<256x128xf32, #tpu.memory_space<hbm>>
    tpu.wait_dma2 semaphore(%arg10 : memref<!tpu.dma_semaphore, #tpu.memory_space<semaphore_mem>>) src(%arg6 : memref<256x128xf32, #tpu.memory_space<vmem>>) dst(%dma_wait3A_219 : memref<256x128xf32, #tpu.memory_space<hbm>>)
    %get3A_220 = arith.constant 5 : i32
    %get3A_221 = arith.index_cast %get3A_220 : i32 to index
    %get3A_222 = arith.constant 0 : index
    %get3A_223 = tpu.vector_load %arg7[%get3A_221, %get3A_222] {strides = array<i32>} : memref<32x64xf32, #tpu.memory_space<vmem>>, vector<1x16xf32>,
    %get3A_224 = vector.shape_cast %get3A_223 : vector<1x16xf32> to vector<16xf32>
    %get3A_225 = arith.constant 5 : i32
    %get3A_226 = arith.index_cast %get3A_225 : i32 to index
    %get3A_227 = arith.constant 16 : index
    %get3A_228 = tpu.vector_load %arg7[%get3A_226, %get3A_227] {strides = array<i32>} : memref<32x64xf32, #tpu.memory_space<vmem>>, vector<1x16xf32>,
    %get3A_229 = vector.shape_cast %get3A_228 : vector<1x16xf32> to vector<16xf32>
    %get3A_230 = arith.constant 5 : i32
    %get3A_231 = arith.index_cast %get3A_230 : i32 to index
    %get3A_232 = arith.constant 32 : index
    %get3A_233 = tpu.vector_load %arg7[%get3A_231, %get3A_232] {strides = array<i32>} : memref<32x64xf32, #tpu.memory_space<vmem>>, vector<1x16xf32>,
    %get3A_234 = vector.shape_cast %get3A_233 : vector<1x16xf32> to vector<16xf32>
    %get3A_235 = arith.constant 5 : i32
    %get3A_236 = arith.index_cast %get3A_235 : i32 to index
    %get3A_237 = arith.constant 48 : index
    %get3A_238 = tpu.vector_load %arg7[%get3A_236, %get3A_237] {strides = array<i32>} : memref<32x64xf32, #tpu.memory_space<vmem>>, vector<1x16xf32>,
    %get3A_239 = vector.shape_cast %get3A_238 : vector<1x16xf32> to vector<16xf32>
    %add3A_240 = arith.constant 5 : i32
    %add3A_241 = arith.addi %mul3A_32, %add3A_240 : i32
    %dma_start3A_242 = arith.constant 0 : i32
    %dma_start3A_243 = arith.constant 0 : i32
    %dma_start3A_244 = tpu.memref_slice %arg4[%select_n3A, %add3A_241, %dma_start3A_242, %dma_start3A_243] : memref<4x256x256x128xf32, #tpu.memory_space<hbm>> -> memref<1x1x256x128xf32, #tpu.memory_space<hbm>>
    %dma_start3A_245 = tpu.memref_squeeze %dma_start3A_244 : memref<1x1x256x128xf32, #tpu.memory_space<hbm>> -> memref<256x128xf32, #tpu.memory_space<hbm>>
    %dma_start3A_246 = arith.constant 0 : i32
    %dma_start3A_247 = arith.constant 0 : i32
    %dma_start3A_248 = tpu.memref_slice %arg4[%select_n3A, %add3A_241, %dma_start3A_246, %dma_start3A_247] : memref<4x256x256x128xf32, #tpu.memory_space<hbm>> -> memref<1x1x256x128xf32, #tpu.memory_space<hbm>>
    %dma_start3A_249 = tpu.memref_squeeze %dma_start3A_248 : memref<1x1x256x128xf32, #tpu.memory_space<hbm>> -> memref<256x128xf32, #tpu.memory_space<hbm>>
    tpu.enqueue_dma source(%arg6 : memref<256x128xf32, #tpu.memory_space<vmem>>) target(%dma_start3A_249 : memref<256x128xf32, #tpu.memory_space<hbm>>) target_semaphore(%arg10 : memref<!tpu.dma_semaphore, #tpu.memory_space<semaphore_mem>>)
    %add3A_250 = arith.constant 4 : i32
    %add3A_251 = arith.addi %mul3A_32, %add3A_250 : i32
    %dma_wait3A_252 = arith.constant 0 : i32
    %dma_wait3A_253 = arith.constant 0 : i32
    %dma_wait3A_254 = tpu.memref_slice %arg4[%select_n3A, %add3A_251, %dma_wait3A_252, %dma_wait3A_253] : memref<4x256x256x128xf32, #tpu.memory_space<hbm>> -> memref<1x1x256x128xf32, #tpu.memory_space<hbm>>
    %dma_wait3A_255 = tpu.memref_squeeze %dma_wait3A_254 : memref<1x1x256x128xf32, #tpu.memory_space<hbm>> -> memref<256x128xf32, #tpu.memory_space<hbm>>
    %dma_wait3A_256 = arith.constant 0 : i32
    %dma_wait3A_257 = arith.constant 0 : i32
    %dma_wait3A_258 = tpu.memref_slice %arg4[%select_n3A, %add3A_251, %dma_wait3A_256, %dma_wait3A_257] : memref<4x256x256x128xf32, #tpu.memory_space<hbm>> -> memref<1x1x256x128xf32, #tpu.memory_space<hbm>>
    %dma_wait3A_259 = tpu.memref_squeeze %dma_wait3A_258 : memref<1x1x256x128xf32, #tpu.memory_space<hbm>> -> memref<256x128xf32, #tpu.memory_space<hbm>>
    tpu.wait_dma2 semaphore(%arg9 : memref<!tpu.dma_semaphore, #tpu.memory_space<semaphore_mem>>) src(%arg5 : memref<256x128xf32, #tpu.memory_space<vmem>>) dst(%dma_wait3A_259 : memref<256x128xf32, #tpu.memory_space<hbm>>)
    %get3A_260 = arith.constant 6 : i32
    %get3A_261 = arith.index_cast %get3A_260 : i32 to index
    %get3A_262 = arith.constant 0 : index
    %get3A_263 = tpu.vector_load %arg7[%get3A_261, %get3A_262] {strides = array<i32>} : memref<32x64xf32, #tpu.memory_space<vmem>>, vector<1x16xf32>,
    %get3A_264 = vector.shape_cast %get3A_263 : vector<1x16xf32> to vector<16xf32>
    %get3A_265 = arith.constant 6 : i32
    %get3A_266 = arith.index_cast %get3A_265 : i32 to index
    %get3A_267 = arith.constant 16 : index
    %get3A_268 = tpu.vector_load %arg7[%get3A_266, %get3A_267] {strides = array<i32>} : memref<32x64xf32, #tpu.memory_space<vmem>>, vector<1x16xf32>,
    %get3A_269 = vector.shape_cast %get3A_268 : vector<1x16xf32> to vector<16xf32>
    %get3A_270 = arith.constant 6 : i32
    %get3A_271 = arith.index_cast %get3A_270 : i32 to index
    %get3A_272 = arith.constant 32 : index
    %get3A_273 = tpu.vector_load %arg7[%get3A_271, %get3A_272] {strides = array<i32>} : memref<32x64xf32, #tpu.memory_space<vmem>>, vector<1x16xf32>,
    %get3A_274 = vector.shape_cast %get3A_273 : vector<1x16xf32> to vector<16xf32>
    %get3A_275 = arith.constant 6 : i32
    %get3A_276 = arith.index_cast %get3A_275 : i32 to index
    %get3A_277 = arith.constant 48 : index
    %get3A_278 = tpu.vector_load %arg7[%get3A_276, %get3A_277] {strides = array<i32>} : memref<32x64xf32, #tpu.memory_space<vmem>>, vector<1x16xf32>,
    %get3A_279 = vector.shape_cast %get3A_278 : vector<1x16xf32> to vector<16xf32>
    %add3A_280 = arith.constant 6 : i32
    %add3A_281 = arith.addi %mul3A_32, %add3A_280 : i32
    %dma_start3A_282 = arith.constant 0 : i32
    %dma_start3A_283 = arith.constant 0 : i32
    %dma_start3A_284 = tpu.memref_slice %arg4[%select_n3A, %add3A_281, %dma_start3A_282, %dma_start3A_283] : memref<4x256x256x128xf32, #tpu.memory_space<hbm>> -> memref<1x1x256x128xf32, #tpu.memory_space<hbm>>
    %dma_start3A_285 = tpu.memref_squeeze %dma_start3A_284 : memref<1x1x256x128xf32, #tpu.memory_space<hbm>> -> memref<256x128xf32, #tpu.memory_space<hbm>>
    %dma_start3A_286 = arith.constant 0 : i32
    %dma_start3A_287 = arith.constant 0 : i32
    %dma_start3A_288 = tpu.memref_slice %arg4[%select_n3A, %add3A_281, %dma_start3A_286, %dma_start3A_287] : memref<4x256x256x128xf32, #tpu.memory_space<hbm>> -> memref<1x1x256x128xf32, #tpu.memory_space<hbm>>
    %dma_start3A_289 = tpu.memref_squeeze %dma_start3A_288 : memref<1x1x256x128xf32, #tpu.memory_space<hbm>> -> memref<256x128xf32, #tpu.memory_space<hbm>>
    tpu.enqueue_dma source(%arg5 : memref<256x128xf32, #tpu.memory_space<vmem>>) target(%dma_start3A_289 : memref<256x128xf32, #tpu.memory_space<hbm>>) target_semaphore(%arg9 : memref<!tpu.dma_semaphore, #tpu.memory_space<semaphore_mem>>)
    %add3A_290 = arith.constant 5 : i32
    %add3A_291 = arith.addi %mul3A_32, %add3A_290 : i32
    %dma_wait3A_292 = arith.constant 0 : i32
    %dma_wait3A_293 = arith.constant 0 : i32
    %dma_wait3A_294 = tpu.memref_slice %arg4[%select_n3A, %add3A_291, %dma_wait3A_292, %dma_wait3A_293] : memref<4x256x256x128xf32, #tpu.memory_space<hbm>> -> memref<1x1x256x128xf32, #tpu.memory_space<hbm>>
    %dma_wait3A_295 = tpu.memref_squeeze %dma_wait3A_294 : memref<1x1x256x128xf32, #tpu.memory_space<hbm>> -> memref<256x128xf32, #tpu.memory_space<hbm>>
    %dma_wait3A_296 = arith.constant 0 : i32
    %dma_wait3A_297 = arith.constant 0 : i32
    %dma_wait3A_298 = tpu.memref_slice %arg4[%select_n3A, %add3A_291, %dma_wait3A_296, %dma_wait3A_297] : memref<4x256x256x128xf32, #tpu.memory_space<hbm>> -> memref<1x1x256x128xf32, #tpu.memory_space<hbm>>
    %dma_wait3A_299 = tpu.memref_squeeze %dma_wait3A_298 : memref<1x1x256x128xf32, #tpu.memory_space<hbm>> -> memref<256x128xf32, #tpu.memory_space<hbm>>
    tpu.wait_dma2 semaphore(%arg10 : memref<!tpu.dma_semaphore, #tpu.memory_space<semaphore_mem>>) src(%arg6 : memref<256x128xf32, #tpu.memory_space<vmem>>) dst(%dma_wait3A_299 : memref<256x128xf32, #tpu.memory_space<hbm>>)
    %get3A_300 = arith.constant 7 : i32
    %get3A_301 = arith.index_cast %get3A_300 : i32 to index
    %get3A_302 = arith.constant 0 : index
    %get3A_303 = tpu.vector_load %arg7[%get3A_301, %get3A_302] {strides = array<i32>} : memref<32x64xf32, #tpu.memory_space<vmem>>, vector<1x16xf32>,
    %get3A_304 = vector.shape_cast %get3A_303 : vector<1x16xf32> to vector<16xf32>
    %get3A_305 = arith.constant 7 : i32
    %get3A_306 = arith.index_cast %get3A_305 : i32 to index
    %get3A_307 = arith.constant 16 : index
    %get3A_308 = tpu.vector_load %arg7[%get3A_306, %get3A_307] {strides = array<i32>} : memref<32x64xf32, #tpu.memory_space<vmem>>, vector<1x16xf32>,
    %get3A_309 = vector.shape_cast %get3A_308 : vector<1x16xf32> to vector<16xf32>
    %get3A_310 = arith.constant 7 : i32
    %get3A_311 = arith.index_cast %get3A_310 : i32 to index
    %get3A_312 = arith.constant 32 : index
    %get3A_313 = tpu.vector_load %arg7[%get3A_311, %get3A_312] {strides = array<i32>} : memref<32x64xf32, #tpu.memory_space<vmem>>, vector<1x16xf32>,
    %get3A_314 = vector.shape_cast %get3A_313 : vector<1x16xf32> to vector<16xf32>
    %get3A_315 = arith.constant 7 : i32
    %get3A_316 = arith.index_cast %get3A_315 : i32 to index
    %get3A_317 = arith.constant 48 : index
    %get3A_318 = tpu.vector_load %arg7[%get3A_316, %get3A_317] {strides = array<i32>} : memref<32x64xf32, #tpu.memory_space<vmem>>, vector<1x16xf32>,
    %get3A_319 = vector.shape_cast %get3A_318 : vector<1x16xf32> to vector<16xf32>
    %add3A_320 = arith.constant 7 : i32
    %add3A_321 = arith.addi %mul3A_32, %add3A_320 : i32
    %dma_start3A_322 = arith.constant 0 : i32
    %dma_start3A_323 = arith.constant 0 : i32
    %dma_start3A_324 = tpu.memref_slice %arg4[%select_n3A, %add3A_321, %dma_start3A_322, %dma_start3A_323] : memref<4x256x256x128xf32, #tpu.memory_space<hbm>> -> memref<1x1x256x128xf32, #tpu.memory_space<hbm>>
    %dma_start3A_325 = tpu.memref_squeeze %dma_start3A_324 : memref<1x1x256x128xf32, #tpu.memory_space<hbm>> -> memref<256x128xf32, #tpu.memory_space<hbm>>
    %dma_start3A_326 = arith.constant 0 : i32
    %dma_start3A_327 = arith.constant 0 : i32
    %dma_start3A_328 = tpu.memref_slice %arg4[%select_n3A, %add3A_321, %dma_start3A_326, %dma_start3A_327] : memref<4x256x256x128xf32, #tpu.memory_space<hbm>> -> memref<1x1x256x128xf32, #tpu.memory_space<hbm>>
    %dma_start3A_329 = tpu.memref_squeeze %dma_start3A_328 : memref<1x1x256x128xf32, #tpu.memory_space<hbm>> -> memref<256x128xf32, #tpu.memory_space<hbm>>
    tpu.enqueue_dma source(%arg6 : memref<256x128xf32, #tpu.memory_space<vmem>>) target(%dma_start3A_329 : memref<256x128xf32, #tpu.memory_space<hbm>>) target_semaphore(%arg10 : memref<!tpu.dma_semaphore, #tpu.memory_space<semaphore_mem>>)
    %add3A_330 = arith.constant 6 : i32
    %add3A_331 = arith.addi %mul3A_32, %add3A_330 : i32
    %dma_wait3A_332 = arith.constant 0 : i32
    %dma_wait3A_333 = arith.constant 0 : i32
    %dma_wait3A_334 = tpu.memref_slice %arg4[%select_n3A, %add3A_331, %dma_wait3A_332, %dma_wait3A_333] : memref<4x256x256x128xf32, #tpu.memory_space<hbm>> -> memref<1x1x256x128xf32, #tpu.memory_space<hbm>>
    %dma_wait3A_335 = tpu.memref_squeeze %dma_wait3A_334 : memref<1x1x256x128xf32, #tpu.memory_space<hbm>> -> memref<256x128xf32, #tpu.memory_space<hbm>>
    %dma_wait3A_336 = arith.constant 0 : i32
    %dma_wait3A_337 = arith.constant 0 : i32
    %dma_wait3A_338 = tpu.memref_slice %arg4[%select_n3A, %add3A_331, %dma_wait3A_336, %dma_wait3A_337] : memref<4x256x256x128xf32, #tpu.memory_space<hbm>> -> memref<1x1x256x128xf32, #tpu.memory_space<hbm>>
    %dma_wait3A_339 = tpu.memref_squeeze %dma_wait3A_338 : memref<1x1x256x128xf32, #tpu.memory_space<hbm>> -> memref<256x128xf32, #tpu.memory_space<hbm>>
    tpu.wait_dma2 semaphore(%arg9 : memref<!tpu.dma_semaphore, #tpu.memory_space<semaphore_mem>>) src(%arg5 : memref<256x128xf32, #tpu.memory_space<vmem>>) dst(%dma_wait3A_339 : memref<256x128xf32, #tpu.memory_space<hbm>>)
    %get3A_340 = arith.constant 8 : i32
    %get3A_341 = arith.index_cast %get3A_340 : i32 to index
    %get3A_342 = arith.constant 0 : index
    %get3A_343 = tpu.vector_load %arg7[%get3A_341, %get3A_342] {strides = array<i32>} : memref<32x64xf32, #tpu.memory_space<vmem>>, vector<1x16xf32>,
    %get3A_344 = vector.shape_cast %get3A_343 : vector<1x16xf32> to vector<16xf32>
    %get3A_345 = arith.constant 8 : i32
    %get3A_346 = arith.index_cast %get3A_345 : i32 to index
    %get3A_347 = arith.constant 16 : index
    %get3A_348 = tpu.vector_load %arg7[%get3A_346, %get3A_347] {strides = array<i32>} : memref<32x64xf32, #tpu.memory_space<vmem>>, vector<1x16xf32>,
    %get3A_349 = vector.shape_cast %get3A_348 : vector<1x16xf32> to vector<16xf32>
    %get3A_350 = arith.constant 8 : i32
    %get3A_351 = arith.index_cast %get3A_350 : i32 to index
    %get3A_352 = arith.constant 32 : index
    %get3A_353 = tpu.vector_load %arg7[%get3A_351, %get3A_352] {strides = array<i32>} : memref<32x64xf32, #tpu.memory_space<vmem>>, vector<1x16xf32>,
    %get3A_354 = vector.shape_cast %get3A_353 : vector<1x16xf32> to vector<16xf32>
    %get3A_355 = arith.constant 8 : i32
    %get3A_356 = arith.index_cast %get3A_355 : i32 to index
    %get3A_357 = arith.constant 48 : index
    %get3A_358 = tpu.vector_load %arg7[%get3A_356, %get3A_357] {strides = array<i32>} : memref<32x64xf32, #tpu.memory_space<vmem>>, vector<1x16xf32>,
    %get3A_359 = vector.shape_cast %get3A_358 : vector<1x16xf32> to vector<16xf32>
    %add3A_360 = arith.constant 8 : i32
    %add3A_361 = arith.addi %mul3A_32, %add3A_360 : i32
    %dma_start3A_362 = arith.constant 0 : i32
    %dma_start3A_363 = arith.constant 0 : i32
    %dma_start3A_364 = tpu.memref_slice %arg4[%select_n3A, %add3A_361, %dma_start3A_362, %dma_start3A_363] : memref<4x256x256x128xf32, #tpu.memory_space<hbm>> -> memref<1x1x256x128xf32, #tpu.memory_space<hbm>>
    %dma_start3A_365 = tpu.memref_squeeze %dma_start3A_364 : memref<1x1x256x128xf32, #tpu.memory_space<hbm>> -> memref<256x128xf32, #tpu.memory_space<hbm>>
    %dma_start3A_366 = arith.constant 0 : i32
    %dma_start3A_367 = arith.constant 0 : i32
    %dma_start3A_368 = tpu.memref_slice %arg4[%select_n3A, %add3A_361, %dma_start3A_366, %dma_start3A_367] : memref<4x256x256x128xf32, #tpu.memory_space<hbm>> -> memref<1x1x256x128xf32, #tpu.memory_space<hbm>>
    %dma_start3A_369 = tpu.memref_squeeze %dma_start3A_368 : memref<1x1x256x128xf32, #tpu.memory_space<hbm>> -> memref<256x128xf32, #tpu.memory_space<hbm>>
    tpu.enqueue_dma source(%arg5 : memref<256x128xf32, #tpu.memory_space<vmem>>) target(%dma_start3A_369 : memref<256x128xf32, #tpu.memory_space<hbm>>) target_semaphore(%arg9 : memref<!tpu.dma_semaphore, #tpu.memory_space<semaphore_mem>>)
    %add3A_370 = arith.constant 7 : i32
    %add3A_371 = arith.addi %mul3A_32, %add3A_370 : i32
    %dma_wait3A_372 = arith.constant 0 : i32
    %dma_wait3A_373 = arith.constant 0 : i32
    %dma_wait3A_374 = tpu.memref_slice %arg4[%select_n3A, %add3A_371, %dma_wait3A_372, %dma_wait3A_373] : memref<4x256x256x128xf32, #tpu.memory_space<hbm>> -> memref<1x1x256x128xf32, #tpu.memory_space<hbm>>
    %dma_wait3A_375 = tpu.memref_squeeze %dma_wait3A_374 : memref<1x1x256x128xf32, #tpu.memory_space<hbm>> -> memref<256x128xf32, #tpu.memory_space<hbm>>
    %dma_wait3A_376 = arith.constant 0 : i32
    %dma_wait3A_377 = arith.constant 0 : i32
    %dma_wait3A_378 = tpu.memref_slice %arg4[%select_n3A, %add3A_371, %dma_wait3A_376, %dma_wait3A_377] : memref<4x256x256x128xf32, #tpu.memory_space<hbm>> -> memref<1x1x256x128xf32, #tpu.memory_space<hbm>>
    %dma_wait3A_379 = tpu.memref_squeeze %dma_wait3A_378 : memref<1x1x256x128xf32, #tpu.memory_space<hbm>> -> memref<256x128xf32, #tpu.memory_space<hbm>>
    tpu.wait_dma2 semaphore(%arg10 : memref<!tpu.dma_semaphore, #tpu.memory_space<semaphore_mem>>) src(%arg6 : memref<256x128xf32, #tpu.memory_space<vmem>>) dst(%dma_wait3A_379 : memref<256x128xf32, #tpu.memory_space<hbm>>)
    %get3A_380 = arith.constant 9 : i32
    %get3A_381 = arith.index_cast %get3A_380 : i32 to index
    %get3A_382 = arith.constant 0 : index
    %get3A_383 = tpu.vector_load %arg7[%get3A_381, %get3A_382] {strides = array<i32>} : memref<32x64xf32, #tpu.memory_space<vmem>>, vector<1x16xf32>,
    %get3A_384 = vector.shape_cast %get3A_383 : vector<1x16xf32> to vector<16xf32>
    %get3A_385 = arith.constant 9 : i32
    %get3A_386 = arith.index_cast %get3A_385 : i32 to index
    %get3A_387 = arith.constant 16 : index
    %get3A_388 = tpu.vector_load %arg7[%get3A_386, %get3A_387] {strides = array<i32>} : memref<32x64xf32, #tpu.memory_space<vmem>>, vector<1x16xf32>,
    %get3A_389 = vector.shape_cast %get3A_388 : vector<1x16xf32> to vector<16xf32>
    %get3A_390 = arith.constant 9 : i32
    %get3A_391 = arith.index_cast %get3A_390 : i32 to index
    %get3A_392 = arith.constant 32 : index
    %get3A_393 = tpu.vector_load %arg7[%get3A_391, %get3A_392] {strides = array<i32>} : memref<32x64xf32, #tpu.memory_space<vmem>>, vector<1x16xf32>,
    %get3A_394 = vector.shape_cast %get3A_393 : vector<1x16xf32> to vector<16xf32>
    %get3A_395 = arith.constant 9 : i32
    %get3A_396 = arith.index_cast %get3A_395 : i32 to index
    %get3A_397 = arith.constant 48 : index
    %get3A_398 = tpu.vector_load %arg7[%get3A_396, %get3A_397] {strides = array<i32>} : memref<32x64xf32, #tpu.memory_space<vmem>>, vector<1x16xf32>,
    %get3A_399 = vector.shape_cast %get3A_398 : vector<1x16xf32> to vector<16xf32>
    %add3A_400 = arith.constant 9 : i32
    %add3A_401 = arith.addi %mul3A_32, %add3A_400 : i32
    %dma_start3A_402 = arith.constant 0 : i32
    %dma_start3A_403 = arith.constant 0 : i32
    %dma_start3A_404 = tpu.memref_slice %arg4[%select_n3A, %add3A_401, %dma_start3A_402, %dma_start3A_403] : memref<4x256x256x128xf32, #tpu.memory_space<hbm>> -> memref<1x1x256x128xf32, #tpu.memory_space<hbm>>
    %dma_start3A_405 = tpu.memref_squeeze %dma_start3A_404 : memref<1x1x256x128xf32, #tpu.memory_space<hbm>> -> memref<256x128xf32, #tpu.memory_space<hbm>>
    %dma_start3A_406 = arith.constant 0 : i32
    %dma_start3A_407 = arith.constant 0 : i32
    %dma_start3A_408 = tpu.memref_slice %arg4[%select_n3A, %add3A_401, %dma_start3A_406, %dma_start3A_407] : memref<4x256x256x128xf32, #tpu.memory_space<hbm>> -> memref<1x1x256x128xf32, #tpu.memory_space<hbm>>
    %dma_start3A_409 = tpu.memref_squeeze %dma_start3A_408 : memref<1x1x256x128xf32, #tpu.memory_space<hbm>> -> memref<256x128xf32, #tpu.memory_space<hbm>>
    tpu.enqueue_dma source(%arg6 : memref<256x128xf32, #tpu.memory_space<vmem>>) target(%dma_start3A_409 : memref<256x128xf32, #tpu.memory_space<hbm>>) target_semaphore(%arg10 : memref<!tpu.dma_semaphore, #tpu.memory_space<semaphore_mem>>)
    %add3A_410 = arith.constant 8 : i32
    %add3A_411 = arith.addi %mul3A_32, %add3A_410 : i32
    %dma_wait3A_412 = arith.constant 0 : i32
    %dma_wait3A_413 = arith.constant 0 : i32
    %dma_wait3A_414 = tpu.memref_slice %arg4[%select_n3A, %add3A_411, %dma_wait3A_412, %dma_wait3A_413] : memref<4x256x256x128xf32, #tpu.memory_space<hbm>> -> memref<1x1x256x128xf32, #tpu.memory_space<hbm>>
    %dma_wait3A_415 = tpu.memref_squeeze %dma_wait3A_414 : memref<1x1x256x128xf32, #tpu.memory_space<hbm>> -> memref<256x128xf32, #tpu.memory_space<hbm>>
    %dma_wait3A_416 = arith.constant 0 : i32
    %dma_wait3A_417 = arith.constant 0 : i32
    %dma_wait3A_418 = tpu.memref_slice %arg4[%select_n3A, %add3A_411, %dma_wait3A_416, %dma_wait3A_417] : memref<4x256x256x128xf32, #tpu.memory_space<hbm>> -> memref<1x1x256x128xf32, #tpu.memory_space<hbm>>
    %dma_wait3A_419 = tpu.memref_squeeze %dma_wait3A_418 : memref<1x1x256x128xf32, #tpu.memory_space<hbm>> -> memref<256x128xf32, #tpu.memory_space<hbm>>
    tpu.wait_dma2 semaphore(%arg9 : memref<!tpu.dma_semaphore, #tpu.memory_space<semaphore_mem>>) src(%arg5 : memref<256x128xf32, #tpu.memory_space<vmem>>) dst(%dma_wait3A_419 : memref<256x128xf32, #tpu.memory_space<hbm>>)
    %get3A_420 = arith.constant 10 : i32
    %get3A_421 = arith.index_cast %get3A_420 : i32 to index
    %get3A_422 = arith.constant 0 : index
    %get3A_423 = tpu.vector_load %arg7[%get3A_421, %get3A_422] {strides = array<i32>} : memref<32x64xf32, #tpu.memory_space<vmem>>, vector<1x16xf32>,
    %get3A_424 = vector.shape_cast %get3A_423 : vector<1x16xf32> to vector<16xf32>
    %get3A_425 = arith.constant 10 : i32
    %get3A_426 = arith.index_cast %get3A_425 : i32 to index
    %get3A_427 = arith.constant 16 : index
    %get3A_428 = tpu.vector_load %arg7[%get3A_426, %get3A_427] {strides = array<i32>} : memref<32x64xf32, #tpu.memory_space<vmem>>, vector<1x16xf32>,
    %get3A_429 = vector.shape_cast %get3A_428 : vector<1x16xf32> to vector<16xf32>
    %get3A_430 = arith.constant 10 : i32
    %get3A_431 = arith.index_cast %get3A_430 : i32 to index
    %get3A_432 = arith.constant 32 : index
    %get3A_433 = tpu.vector_load %arg7[%get3A_431, %get3A_432] {strides = array<i32>} : memref<32x64xf32, #tpu.memory_space<vmem>>, vector<1x16xf32>,
    %get3A_434 = vector.shape_cast %get3A_433 : vector<1x16xf32> to vector<16xf32>
    %get3A_435 = arith.constant 10 : i32
    %get3A_436 = arith.index_cast %get3A_435 : i32 to index
    %get3A_437 = arith.constant 48 : index
    %get3A_438 = tpu.vector_load %arg7[%get3A_436, %get3A_437] {strides = array<i32>} : memref<32x64xf32, #tpu.memory_space<vmem>>, vector<1x16xf32>,
    %get3A_439 = vector.shape_cast %get3A_438 : vector<1x16xf32> to vector<16xf32>
    %add3A_440 = arith.constant 10 : i32
    %add3A_441 = arith.addi %mul3A_32, %add3A_440 : i32
    %dma_start3A_442 = arith.constant 0 : i32
    %dma_start3A_443 = arith.constant 0 : i32
    %dma_start3A_444 = tpu.memref_slice %arg4[%select_n3A, %add3A_441, %dma_start3A_442, %dma_start3A_443] : memref<4x256x256x128xf32, #tpu.memory_space<hbm>> -> memref<1x1x256x128xf32, #tpu.memory_space<hbm>>
    %dma_start3A_445 = tpu.memref_squeeze %dma_start3A_444 : memref<1x1x256x128xf32, #tpu.memory_space<hbm>> -> memref<256x128xf32, #tpu.memory_space<hbm>>
    %dma_start3A_446 = arith.constant 0 : i32
    %dma_start3A_447 = arith.constant 0 : i32
    %dma_start3A_448 = tpu.memref_slice %arg4[%select_n3A, %add3A_441, %dma_start3A_446, %dma_start3A_447] : memref<4x256x256x128xf32, #tpu.memory_space<hbm>> -> memref<1x1x256x128xf32, #tpu.memory_space<hbm>>
    %dma_start3A_449 = tpu.memref_squeeze %dma_start3A_448 : memref<1x1x256x128xf32, #tpu.memory_space<hbm>> -> memref<256x128xf32, #tpu.memory_space<hbm>>
    tpu.enqueue_dma source(%arg5 : memref<256x128xf32, #tpu.memory_space<vmem>>) target(%dma_start3A_449 : memref<256x128xf32, #tpu.memory_space<hbm>>) target_semaphore(%arg9 : memref<!tpu.dma_semaphore, #tpu.memory_space<semaphore_mem>>)
    %add3A_450 = arith.constant 9 : i32
    %add3A_451 = arith.addi %mul3A_32, %add3A_450 : i32
    %dma_wait3A_452 = arith.constant 0 : i32
    %dma_wait3A_453 = arith.constant 0 : i32
    %dma_wait3A_454 = tpu.memref_slice %arg4[%select_n3A, %add3A_451, %dma_wait3A_452, %dma_wait3A_453] : memref<4x256x256x128xf32, #tpu.memory_space<hbm>> -> memref<1x1x256x128xf32, #tpu.memory_space<hbm>>
    %dma_wait3A_455 = tpu.memref_squeeze %dma_wait3A_454 : memref<1x1x256x128xf32, #tpu.memory_space<hbm>> -> memref<256x128xf32, #tpu.memory_space<hbm>>
    %dma_wait3A_456 = arith.constant 0 : i32
    %dma_wait3A_457 = arith.constant 0 : i32
    %dma_wait3A_458 = tpu.memref_slice %arg4[%select_n3A, %add3A_451, %dma_wait3A_456, %dma_wait3A_457] : memref<4x256x256x128xf32, #tpu.memory_space<hbm>> -> memref<1x1x256x128xf32, #tpu.memory_space<hbm>>
    %dma_wait3A_459 = tpu.memref_squeeze %dma_wait3A_458 : memref<1x1x256x128xf32, #tpu.memory_space<hbm>> -> memref<256x128xf32, #tpu.memory_space<hbm>>
    tpu.wait_dma2 semaphore(%arg10 : memref<!tpu.dma_semaphore, #tpu.memory_space<semaphore_mem>>) src(%arg6 : memref<256x128xf32, #tpu.memory_space<vmem>>) dst(%dma_wait3A_459 : memref<256x128xf32, #tpu.memory_space<hbm>>)
    %get3A_460 = arith.constant 11 : i32
    %get3A_461 = arith.index_cast %get3A_460 : i32 to index
    %get3A_462 = arith.constant 0 : index
    %get3A_463 = tpu.vector_load %arg7[%get3A_461, %get3A_462] {strides = array<i32>} : memref<32x64xf32, #tpu.memory_space<vmem>>, vector<1x16xf32>,
    %get3A_464 = vector.shape_cast %get3A_463 : vector<1x16xf32> to vector<16xf32>
    %get3A_465 = arith.constant 11 : i32
    %get3A_466 = arith.index_cast %get3A_465 : i32 to index
    %get3A_467 = arith.constant 16 : index
    %get3A_468 = tpu.vector_load %arg7[%get3A_466, %get3A_467] {strides = array<i32>} : memref<32x64xf32, #tpu.memory_space<vmem>>, vector<1x16xf32>,
    %get3A_469 = vector.shape_cast %get3A_468 : vector<1x16xf32> to vector<16xf32>
    %get3A_470 = arith.constant 11 : i32
    %get3A_471 = arith.index_cast %get3A_470 : i32 to index
    %get3A_472 = arith.constant 32 : index
    %get3A_473 = tpu.vector_load %arg7[%get3A_471, %get3A_472] {strides = array<i32>} : memref<32x64xf32, #tpu.memory_space<vmem>>, vector<1x16xf32>,
    %get3A_474 = vector.shape_cast %get3A_473 : vector<1x16xf32> to vector<16xf32>
    %get3A_475 = arith.constant 11 : i32
    %get3A_476 = arith.index_cast %get3A_475 : i32 to index
    %get3A_477 = arith.constant 48 : index
    %get3A_478 = tpu.vector_load %arg7[%get3A_476, %get3A_477] {strides = array<i32>} : memref<32x64xf32, #tpu.memory_space<vmem>>, vector<1x16xf32>,
    %get3A_479 = vector.shape_cast %get3A_478 : vector<1x16xf32> to vector<16xf32>
    %add3A_480 = arith.constant 11 : i32
    %add3A_481 = arith.addi %mul3A_32, %add3A_480 : i32
    %dma_start3A_482 = arith.constant 0 : i32
    %dma_start3A_483 = arith.constant 0 : i32
    %dma_start3A_484 = tpu.memref_slice %arg4[%select_n3A, %add3A_481, %dma_start3A_482, %dma_start3A_483] : memref<4x256x256x128xf32, #tpu.memory_space<hbm>> -> memref<1x1x256x128xf32, #tpu.memory_space<hbm>>
    %dma_start3A_485 = tpu.memref_squeeze %dma_start3A_484 : memref<1x1x256x128xf32, #tpu.memory_space<hbm>> -> memref<256x128xf32, #tpu.memory_space<hbm>>
    %dma_start3A_486 = arith.constant 0 : i32
    %dma_start3A_487 = arith.constant 0 : i32
    %dma_start3A_488 = tpu.memref_slice %arg4[%select_n3A, %add3A_481, %dma_start3A_486, %dma_start3A_487] : memref<4x256x256x128xf32, #tpu.memory_space<hbm>> -> memref<1x1x256x128xf32, #tpu.memory_space<hbm>>
    %dma_start3A_489 = tpu.memref_squeeze %dma_start3A_488 : memref<1x1x256x128xf32, #tpu.memory_space<hbm>> -> memref<256x128xf32, #tpu.memory_space<hbm>>
    tpu.enqueue_dma source(%arg6 : memref<256x128xf32, #tpu.memory_space<vmem>>) target(%dma_start3A_489 : memref<256x128xf32, #tpu.memory_space<hbm>>) target_semaphore(%arg10 : memref<!tpu.dma_semaphore, #tpu.memory_space<semaphore_mem>>)
    %add3A_490 = arith.constant 10 : i32
    %add3A_491 = arith.addi %mul3A_32, %add3A_490 : i32
    %dma_wait3A_492 = arith.constant 0 : i32
    %dma_wait3A_493 = arith.constant 0 : i32
    %dma_wait3A_494 = tpu.memref_slice %arg4[%select_n3A, %add3A_491, %dma_wait3A_492, %dma_wait3A_493] : memref<4x256x256x128xf32, #tpu.memory_space<hbm>> -> memref<1x1x256x128xf32, #tpu.memory_space<hbm>>
    %dma_wait3A_495 = tpu.memref_squeeze %dma_wait3A_494 : memref<1x1x256x128xf32, #tpu.memory_space<hbm>> -> memref<256x128xf32, #tpu.memory_space<hbm>>
    %dma_wait3A_496 = arith.constant 0 : i32
    %dma_wait3A_497 = arith.constant 0 : i32
    %dma_wait3A_498 = tpu.memref_slice %arg4[%select_n3A, %add3A_491, %dma_wait3A_496, %dma_wait3A_497] : memref<4x256x256x128xf32, #tpu.memory_space<hbm>> -> memref<1x1x256x128xf32, #tpu.memory_space<hbm>>
    %dma_wait3A_499 = tpu.memref_squeeze %dma_wait3A_498 : memref<1x1x256x128xf32, #tpu.memory_space<hbm>> -> memref<256x128xf32, #tpu.memory_space<hbm>>
    tpu.wait_dma2 semaphore(%arg9 : memref<!tpu.dma_semaphore, #tpu.memory_space<semaphore_mem>>) src(%arg5 : memref<256x128xf32, #tpu.memory_space<vmem>>) dst(%dma_wait3A_499 : memref<256x128xf32, #tpu.memory_space<hbm>>)
    %get3A_500 = arith.constant 12 : i32
    %get3A_501 = arith.index_cast %get3A_500 : i32 to index
    %get3A_502 = arith.constant 0 : index
    %get3A_503 = tpu.vector_load %arg7[%get3A_501, %get3A_502] {strides = array<i32>} : memref<32x64xf32, #tpu.memory_space<vmem>>, vector<1x16xf32>,
    %get3A_504 = vector.shape_cast %get3A_503 : vector<1x16xf32> to vector<16xf32>
    %get3A_505 = arith.constant 12 : i32
    %get3A_506 = arith.index_cast %get3A_505 : i32 to index
    %get3A_507 = arith.constant 16 : index
    %get3A_508 = tpu.vector_load %arg7[%get3A_506, %get3A_507] {strides = array<i32>} : memref<32x64xf32, #tpu.memory_space<vmem>>, vector<1x16xf32>,
    %get3A_509 = vector.shape_cast %get3A_508 : vector<1x16xf32> to vector<16xf32>
    %get3A_510 = arith.constant 12 : i32
    %get3A_511 = arith.index_cast %get3A_510 : i32 to index
    %get3A_512 = arith.constant 32 : index
    %get3A_513 = tpu.vector_load %arg7[%get3A_511, %get3A_512] {strides = array<i32>} : memref<32x64xf32, #tpu.memory_space<vmem>>, vector<1x16xf32>,
    %get3A_514 = vector.shape_cast %get3A_513 : vector<1x16xf32> to vector<16xf32>
    %get3A_515 = arith.constant 12 : i32
    %get3A_516 = arith.index_cast %get3A_515 : i32 to index
    %get3A_517 = arith.constant 48 : index
    %get3A_518 = tpu.vector_load %arg7[%get3A_516, %get3A_517] {strides = array<i32>} : memref<32x64xf32, #tpu.memory_space<vmem>>, vector<1x16xf32>,
    %get3A_519 = vector.shape_cast %get3A_518 : vector<1x16xf32> to vector<16xf32>
    %add3A_520 = arith.constant 12 : i32
    %add3A_521 = arith.addi %mul3A_32, %add3A_520 : i32
    %dma_start3A_522 = arith.constant 0 : i32
    %dma_start3A_523 = arith.constant 0 : i32
    %dma_start3A_524 = tpu.memref_slice %arg4[%select_n3A, %add3A_521, %dma_start3A_522, %dma_start3A_523] : memref<4x256x256x128xf32, #tpu.memory_space<hbm>> -> memref<1x1x256x128xf32, #tpu.memory_space<hbm>>
    %dma_start3A_525 = tpu.memref_squeeze %dma_start3A_524 : memref<1x1x256x128xf32, #tpu.memory_space<hbm>> -> memref<256x128xf32, #tpu.memory_space<hbm>>
    %dma_start3A_526 = arith.constant 0 : i32
    %dma_start3A_527 = arith.constant 0 : i32
    %dma_start3A_528 = tpu.memref_slice %arg4[%select_n3A, %add3A_521, %dma_start3A_526, %dma_start3A_527] : memref<4x256x256x128xf32, #tpu.memory_space<hbm>> -> memref<1x1x256x128xf32, #tpu.memory_space<hbm>>
    %dma_start3A_529 = tpu.memref_squeeze %dma_start3A_528 : memref<1x1x256x128xf32, #tpu.memory_space<hbm>> -> memref<256x128xf32, #tpu.memory_space<hbm>>
    tpu.enqueue_dma source(%arg5 : memref<256x128xf32, #tpu.memory_space<vmem>>) target(%dma_start3A_529 : memref<256x128xf32, #tpu.memory_space<hbm>>) target_semaphore(%arg9 : memref<!tpu.dma_semaphore, #tpu.memory_space<semaphore_mem>>)
    %add3A_530 = arith.constant 11 : i32
    %add3A_531 = arith.addi %mul3A_32, %add3A_530 : i32
    %dma_wait3A_532 = arith.constant 0 : i32
    %dma_wait3A_533 = arith.constant 0 : i32
    %dma_wait3A_534 = tpu.memref_slice %arg4[%select_n3A, %add3A_531, %dma_wait3A_532, %dma_wait3A_533] : memref<4x256x256x128xf32, #tpu.memory_space<hbm>> -> memref<1x1x256x128xf32, #tpu.memory_space<hbm>>
    %dma_wait3A_535 = tpu.memref_squeeze %dma_wait3A_534 : memref<1x1x256x128xf32, #tpu.memory_space<hbm>> -> memref<256x128xf32, #tpu.memory_space<hbm>>
    %dma_wait3A_536 = arith.constant 0 : i32
    %dma_wait3A_537 = arith.constant 0 : i32
    %dma_wait3A_538 = tpu.memref_slice %arg4[%select_n3A, %add3A_531, %dma_wait3A_536, %dma_wait3A_537] : memref<4x256x256x128xf32, #tpu.memory_space<hbm>> -> memref<1x1x256x128xf32, #tpu.memory_space<hbm>>
    %dma_wait3A_539 = tpu.memref_squeeze %dma_wait3A_538 : memref<1x1x256x128xf32, #tpu.memory_space<hbm>> -> memref<256x128xf32, #tpu.memory_space<hbm>>
    tpu.wait_dma2 semaphore(%arg10 : memref<!tpu.dma_semaphore, #tpu.memory_space<semaphore_mem>>) src(%arg6 : memref<256x128xf32, #tpu.memory_space<vmem>>) dst(%dma_wait3A_539 : memref<256x128xf32, #tpu.memory_space<hbm>>)
    %get3A_540 = arith.constant 13 : i32
    %get3A_541 = arith.index_cast %get3A_540 : i32 to index
    %get3A_542 = arith.constant 0 : index
    %get3A_543 = tpu.vector_load %arg7[%get3A_541, %get3A_542] {strides = array<i32>} : memref<32x64xf32, #tpu.memory_space<vmem>>, vector<1x16xf32>,
    %get3A_544 = vector.shape_cast %get3A_543 : vector<1x16xf32> to vector<16xf32>
    %get3A_545 = arith.constant 13 : i32
    %get3A_546 = arith.index_cast %get3A_545 : i32 to index
    %get3A_547 = arith.constant 16 : index
    %get3A_548 = tpu.vector_load %arg7[%get3A_546, %get3A_547] {strides = array<i32>} : memref<32x64xf32, #tpu.memory_space<vmem>>, vector<1x16xf32>,
    %get3A_549 = vector.shape_cast %get3A_548 : vector<1x16xf32> to vector<16xf32>
    %get3A_550 = arith.constant 13 : i32
    %get3A_551 = arith.index_cast %get3A_550 : i32 to index
    %get3A_552 = arith.constant 32 : index
    %get3A_553 = tpu.vector_load %arg7[%get3A_551, %get3A_552] {strides = array<i32>} : memref<32x64xf32, #tpu.memory_space<vmem>>, vector<1x16xf32>,
    %get3A_554 = vector.shape_cast %get3A_553 : vector<1x16xf32> to vector<16xf32>
    %get3A_555 = arith.constant 13 : i32
    %get3A_556 = arith.index_cast %get3A_555 : i32 to index
    %get3A_557 = arith.constant 48 : index
    %get3A_558 = tpu.vector_load %arg7[%get3A_556, %get3A_557] {strides = array<i32>} : memref<32x64xf32, #tpu.memory_space<vmem>>, vector<1x16xf32>,
    %get3A_559 = vector.shape_cast %get3A_558 : vector<1x16xf32> to vector<16xf32>
    %add3A_560 = arith.constant 13 : i32
    %add3A_561 = arith.addi %mul3A_32, %add3A_560 : i32
    %dma_start3A_562 = arith.constant 0 : i32
    %dma_start3A_563 = arith.constant 0 : i32
    %dma_start3A_564 = tpu.memref_slice %arg4[%select_n3A, %add3A_561, %dma_start3A_562, %dma_start3A_563] : memref<4x256x256x128xf32, #tpu.memory_space<hbm>> -> memref<1x1x256x128xf32, #tpu.memory_space<hbm>>
    %dma_start3A_565 = tpu.memref_squeeze %dma_start3A_564 : memref<1x1x256x128xf32, #tpu.memory_space<hbm>> -> memref<256x128xf32, #tpu.memory_space<hbm>>
    %dma_start3A_566 = arith.constant 0 : i32
    %dma_start3A_567 = arith.constant 0 : i32
    %dma_start3A_568 = tpu.memref_slice %arg4[%select_n3A, %add3A_561, %dma_start3A_566, %dma_start3A_567] : memref<4x256x256x128xf32, #tpu.memory_space<hbm>> -> memref<1x1x256x128xf32, #tpu.memory_space<hbm>>
    %dma_start3A_569 = tpu.memref_squeeze %dma_start3A_568 : memref<1x1x256x128xf32, #tpu.memory_space<hbm>> -> memref<256x128xf32, #tpu.memory_space<hbm>>
    tpu.enqueue_dma source(%arg6 : memref<256x128xf32, #tpu.memory_space<vmem>>) target(%dma_start3A_569 : memref<256x128xf32, #tpu.memory_space<hbm>>) target_semaphore(%arg10 : memref<!tpu.dma_semaphore, #tpu.memory_space<semaphore_mem>>)
    %add3A_570 = arith.constant 12 : i32
    %add3A_571 = arith.addi %mul3A_32, %add3A_570 : i32
    %dma_wait3A_572 = arith.constant 0 : i32
    %dma_wait3A_573 = arith.constant 0 : i32
    %dma_wait3A_574 = tpu.memref_slice %arg4[%select_n3A, %add3A_571, %dma_wait3A_572, %dma_wait3A_573] : memref<4x256x256x128xf32, #tpu.memory_space<hbm>> -> memref<1x1x256x128xf32, #tpu.memory_space<hbm>>
    %dma_wait3A_575 = tpu.memref_squeeze %dma_wait3A_574 : memref<1x1x256x128xf32, #tpu.memory_space<hbm>> -> memref<256x128xf32, #tpu.memory_space<hbm>>
    %dma_wait3A_576 = arith.constant 0 : i32
    %dma_wait3A_577 = arith.constant 0 : i32
    %dma_wait3A_578 = tpu.memref_slice %arg4[%select_n3A, %add3A_571, %dma_wait3A_576, %dma_wait3A_577] : memref<4x256x256x128xf32, #tpu.memory_space<hbm>> -> memref<1x1x256x128xf32, #tpu.memory_space<hbm>>
    %dma_wait3A_579 = tpu.memref_squeeze %dma_wait3A_578 : memref<1x1x256x128xf32, #tpu.memory_space<hbm>> -> memref<256x128xf32, #tpu.memory_space<hbm>>
    tpu.wait_dma2 semaphore(%arg9 : memref<!tpu.dma_semaphore, #tpu.memory_space<semaphore_mem>>) src(%arg5 : memref<256x128xf32, #tpu.memory_space<vmem>>) dst(%dma_wait3A_579 : memref<256x128xf32, #tpu.memory_space<hbm>>)
    %get3A_580 = arith.constant 14 : i32
    %get3A_581 = arith.index_cast %get3A_580 : i32 to index
    %get3A_582 = arith.constant 0 : index
    %get3A_583 = tpu.vector_load %arg7[%get3A_581, %get3A_582] {strides = array<i32>} : memref<32x64xf32, #tpu.memory_space<vmem>>, vector<1x16xf32>,
    %get3A_584 = vector.shape_cast %get3A_583 : vector<1x16xf32> to vector<16xf32>
    %get3A_585 = arith.constant 14 : i32
    %get3A_586 = arith.index_cast %get3A_585 : i32 to index
    %get3A_587 = arith.constant 16 : index
    %get3A_588 = tpu.vector_load %arg7[%get3A_586, %get3A_587] {strides = array<i32>} : memref<32x64xf32, #tpu.memory_space<vmem>>, vector<1x16xf32>,
    %get3A_589 = vector.shape_cast %get3A_588 : vector<1x16xf32> to vector<16xf32>
    %get3A_590 = arith.constant 14 : i32
    %get3A_591 = arith.index_cast %get3A_590 : i32 to index
    %get3A_592 = arith.constant 32 : index
    %get3A_593 = tpu.vector_load %arg7[%get3A_591, %get3A_592] {strides = array<i32>} : memref<32x64xf32, #tpu.memory_space<vmem>>, vector<1x16xf32>,
    %get3A_594 = vector.shape_cast %get3A_593 : vector<1x16xf32> to vector<16xf32>
    %get3A_595 = arith.constant 14 : i32
    %get3A_596 = arith.index_cast %get3A_595 : i32 to index
    %get3A_597 = arith.constant 48 : index
    %get3A_598 = tpu.vector_load %arg7[%get3A_596, %get3A_597] {strides = array<i32>} : memref<32x64xf32, #tpu.memory_space<vmem>>, vector<1x16xf32>,
    %get3A_599 = vector.shape_cast %get3A_598 : vector<1x16xf32> to vector<16xf32>
    %add3A_600 = arith.constant 14 : i32
    %add3A_601 = arith.addi %mul3A_32, %add3A_600 : i32
    %dma_start3A_602 = arith.constant 0 : i32
    %dma_start3A_603 = arith.constant 0 : i32
    %dma_start3A_604 = tpu.memref_slice %arg4[%select_n3A, %add3A_601, %dma_start3A_602, %dma_start3A_603] : memref<4x256x256x128xf32, #tpu.memory_space<hbm>> -> memref<1x1x256x128xf32, #tpu.memory_space<hbm>>
    %dma_start3A_605 = tpu.memref_squeeze %dma_start3A_604 : memref<1x1x256x128xf32, #tpu.memory_space<hbm>> -> memref<256x128xf32, #tpu.memory_space<hbm>>
    %dma_start3A_606 = arith.constant 0 : i32
    %dma_start3A_607 = arith.constant 0 : i32
    %dma_start3A_608 = tpu.memref_slice %arg4[%select_n3A, %add3A_601, %dma_start3A_606, %dma_start3A_607] : memref<4x256x256x128xf32, #tpu.memory_space<hbm>> -> memref<1x1x256x128xf32, #tpu.memory_space<hbm>>
    %dma_start3A_609 = tpu.memref_squeeze %dma_start3A_608 : memref<1x1x256x128xf32, #tpu.memory_space<hbm>> -> memref<256x128xf32, #tpu.memory_space<hbm>>
    tpu.enqueue_dma source(%arg5 : memref<256x128xf32, #tpu.memory_space<vmem>>) target(%dma_start3A_609 : memref<256x128xf32, #tpu.memory_space<hbm>>) target_semaphore(%arg9 : memref<!tpu.dma_semaphore, #tpu.memory_space<semaphore_mem>>)
    %add3A_610 = arith.constant 13 : i32
    %add3A_611 = arith.addi %mul3A_32, %add3A_610 : i32
    %dma_wait3A_612 = arith.constant 0 : i32
    %dma_wait3A_613 = arith.constant 0 : i32
    %dma_wait3A_614 = tpu.memref_slice %arg4[%select_n3A, %add3A_611, %dma_wait3A_612, %dma_wait3A_613] : memref<4x256x256x128xf32, #tpu.memory_space<hbm>> -> memref<1x1x256x128xf32, #tpu.memory_space<hbm>>
    %dma_wait3A_615 = tpu.memref_squeeze %dma_wait3A_614 : memref<1x1x256x128xf32, #tpu.memory_space<hbm>> -> memref<256x128xf32, #tpu.memory_space<hbm>>
    %dma_wait3A_616 = arith.constant 0 : i32
    %dma_wait3A_617 = arith.constant 0 : i32
    %dma_wait3A_618 = tpu.memref_slice %arg4[%select_n3A, %add3A_611, %dma_wait3A_616, %dma_wait3A_617] : memref<4x256x256x128xf32, #tpu.memory_space<hbm>> -> memref<1x1x256x128xf32, #tpu.memory_space<hbm>>
    %dma_wait3A_619 = tpu.memref_squeeze %dma_wait3A_618 : memref<1x1x256x128xf32, #tpu.memory_space<hbm>> -> memref<256x128xf32, #tpu.memory_space<hbm>>
    tpu.wait_dma2 semaphore(%arg10 : memref<!tpu.dma_semaphore, #tpu.memory_space<semaphore_mem>>) src(%arg6 : memref<256x128xf32, #tpu.memory_space<vmem>>) dst(%dma_wait3A_619 : memref<256x128xf32, #tpu.memory_space<hbm>>)
    %get3A_620 = arith.constant 15 : i32
    %get3A_621 = arith.index_cast %get3A_620 : i32 to index
    %get3A_622 = arith.constant 0 : index
    %get3A_623 = tpu.vector_load %arg7[%get3A_621, %get3A_622] {strides = array<i32>} : memref<32x64xf32, #tpu.memory_space<vmem>>, vector<1x16xf32>,
    %get3A_624 = vector.shape_cast %get3A_623 : vector<1x16xf32> to vector<16xf32>
    %get3A_625 = arith.constant 15 : i32
    %get3A_626 = arith.index_cast %get3A_625 : i32 to index
    %get3A_627 = arith.constant 16 : index
    %get3A_628 = tpu.vector_load %arg7[%get3A_626, %get3A_627] {strides = array<i32>} : memref<32x64xf32, #tpu.memory_space<vmem>>, vector<1x16xf32>,
    %get3A_629 = vector.shape_cast %get3A_628 : vector<1x16xf32> to vector<16xf32>
    %get3A_630 = arith.constant 15 : i32
    %get3A_631 = arith.index_cast %get3A_630 : i32 to index
    %get3A_632 = arith.constant 32 : index
    %get3A_633 = tpu.vector_load %arg7[%get3A_631, %get3A_632] {strides = array<i32>} : memref<32x64xf32, #tpu.memory_space<vmem>>, vector<1x16xf32>,
    %get3A_634 = vector.shape_cast %get3A_633 : vector<1x16xf32> to vector<16xf32>
    %get3A_635 = arith.constant 15 : i32
    %get3A_636 = arith.index_cast %get3A_635 : i32 to index
    %get3A_637 = arith.constant 48 : index
    %get3A_638 = tpu.vector_load %arg7[%get3A_636, %get3A_637] {strides = array<i32>} : memref<32x64xf32, #tpu.memory_space<vmem>>, vector<1x16xf32>,
    %get3A_639 = vector.shape_cast %get3A_638 : vector<1x16xf32> to vector<16xf32>
    %add3A_640 = arith.constant 15 : i32
    %add3A_641 = arith.addi %mul3A_32, %add3A_640 : i32
    %dma_start3A_642 = arith.constant 0 : i32
    %dma_start3A_643 = arith.constant 0 : i32
    %dma_start3A_644 = tpu.memref_slice %arg4[%select_n3A, %add3A_641, %dma_start3A_642, %dma_start3A_643] : memref<4x256x256x128xf32, #tpu.memory_space<hbm>> -> memref<1x1x256x128xf32, #tpu.memory_space<hbm>>
    %dma_start3A_645 = tpu.memref_squeeze %dma_start3A_644 : memref<1x1x256x128xf32, #tpu.memory_space<hbm>> -> memref<256x128xf32, #tpu.memory_space<hbm>>
    %dma_start3A_646 = arith.constant 0 : i32
    %dma_start3A_647 = arith.constant 0 : i32
    %dma_start3A_648 = tpu.memref_slice %arg4[%select_n3A, %add3A_641, %dma_start3A_646, %dma_start3A_647] : memref<4x256x256x128xf32, #tpu.memory_space<hbm>> -> memref<1x1x256x128xf32, #tpu.memory_space<hbm>>
    %dma_start3A_649 = tpu.memref_squeeze %dma_start3A_648 : memref<1x1x256x128xf32, #tpu.memory_space<hbm>> -> memref<256x128xf32, #tpu.memory_space<hbm>>
    tpu.enqueue_dma source(%arg6 : memref<256x128xf32, #tpu.memory_space<vmem>>) target(%dma_start3A_649 : memref<256x128xf32, #tpu.memory_space<hbm>>) target_semaphore(%arg10 : memref<!tpu.dma_semaphore, #tpu.memory_space<semaphore_mem>>)
    %add3A_650 = arith.constant 14 : i32
    %add3A_651 = arith.addi %mul3A_32, %add3A_650 : i32
    %dma_wait3A_652 = arith.constant 0 : i32
    %dma_wait3A_653 = arith.constant 0 : i32
    %dma_wait3A_654 = tpu.memref_slice %arg4[%select_n3A, %add3A_651, %dma_wait3A_652, %dma_wait3A_653] : memref<4x256x256x128xf32, #tpu.memory_space<hbm>> -> memref<1x1x256x128xf32, #tpu.memory_space<hbm>>
    %dma_wait3A_655 = tpu.memref_squeeze %dma_wait3A_654 : memref<1x1x256x128xf32, #tpu.memory_space<hbm>> -> memref<256x128xf32, #tpu.memory_space<hbm>>
    %dma_wait3A_656 = arith.constant 0 : i32
    %dma_wait3A_657 = arith.constant 0 : i32
    %dma_wait3A_658 = tpu.memref_slice %arg4[%select_n3A, %add3A_651, %dma_wait3A_656, %dma_wait3A_657] : memref<4x256x256x128xf32, #tpu.memory_space<hbm>> -> memref<1x1x256x128xf32, #tpu.memory_space<hbm>>
    %dma_wait3A_659 = tpu.memref_squeeze %dma_wait3A_658 : memref<1x1x256x128xf32, #tpu.memory_space<hbm>> -> memref<256x128xf32, #tpu.memory_space<hbm>>
    tpu.wait_dma2 semaphore(%arg9 : memref<!tpu.dma_semaphore, #tpu.memory_space<semaphore_mem>>) src(%arg5 : memref<256x128xf32, #tpu.memory_space<vmem>>) dst(%dma_wait3A_659 : memref<256x128xf32, #tpu.memory_space<hbm>>)
    %get3A_660 = arith.constant 16 : i32
    %get3A_661 = arith.index_cast %get3A_660 : i32 to index
    %get3A_662 = arith.constant 0 : index
    %get3A_663 = tpu.vector_load %arg7[%get3A_661, %get3A_662] {strides = array<i32>} : memref<32x64xf32, #tpu.memory_space<vmem>>, vector<1x16xf32>,
    %get3A_664 = vector.shape_cast %get3A_663 : vector<1x16xf32> to vector<16xf32>
    %get3A_665 = arith.constant 16 : i32
    %get3A_666 = arith.index_cast %get3A_665 : i32 to index
    %get3A_667 = arith.constant 16 : index
    %get3A_668 = tpu.vector_load %arg7[%get3A_666, %get3A_667] {strides = array<i32>} : memref<32x64xf32, #tpu.memory_space<vmem>>, vector<1x16xf32>,
    %get3A_669 = vector.shape_cast %get3A_668 : vector<1x16xf32> to vector<16xf32>
    %get3A_670 = arith.constant 16 : i32
    %get3A_671 = arith.index_cast %get3A_670 : i32 to index
    %get3A_672 = arith.constant 32 : index
    %get3A_673 = tpu.vector_load %arg7[%get3A_671, %get3A_672] {strides = array<i32>} : memref<32x64xf32, #tpu.memory_space<vmem>>, vector<1x16xf32>,
    %get3A_674 = vector.shape_cast %get3A_673 : vector<1x16xf32> to vector<16xf32>
    %get3A_675 = arith.constant 16 : i32
    %get3A_676 = arith.index_cast %get3A_675 : i32 to index
    %get3A_677 = arith.constant 48 : index
    %get3A_678 = tpu.vector_load %arg7[%get3A_676, %get3A_677] {strides = array<i32>} : memref<32x64xf32, #tpu.memory_space<vmem>>, vector<1x16xf32>,
    %get3A_679 = vector.shape_cast %get3A_678 : vector<1x16xf32> to vector<16xf32>
    %add3A_680 = arith.constant 16 : i32
    %add3A_681 = arith.addi %mul3A_32, %add3A_680 : i32
    %dma_start3A_682 = arith.constant 0 : i32
    %dma_start3A_683 = arith.constant 0 : i32
    %dma_start3A_684 = tpu.memref_slice %arg4[%select_n3A, %add3A_681, %dma_start3A_682, %dma_start3A_683] : memref<4x256x256x128xf32, #tpu.memory_space<hbm>> -> memref<1x1x256x128xf32, #tpu.memory_space<hbm>>
    %dma_start3A_685 = tpu.memref_squeeze %dma_start3A_684 : memref<1x1x256x128xf32, #tpu.memory_space<hbm>> -> memref<256x128xf32, #tpu.memory_space<hbm>>
    %dma_start3A_686 = arith.constant 0 : i32
    %dma_start3A_687 = arith.constant 0 : i32
    %dma_start3A_688 = tpu.memref_slice %arg4[%select_n3A, %add3A_681, %dma_start3A_686, %dma_start3A_687] : memref<4x256x256x128xf32, #tpu.memory_space<hbm>> -> memref<1x1x256x128xf32, #tpu.memory_space<hbm>>
    %dma_start3A_689 = tpu.memref_squeeze %dma_start3A_688 : memref<1x1x256x128xf32, #tpu.memory_space<hbm>> -> memref<256x128xf32, #tpu.memory_space<hbm>>
    tpu.enqueue_dma source(%arg5 : memref<256x128xf32, #tpu.memory_space<vmem>>) target(%dma_start3A_689 : memref<256x128xf32, #tpu.memory_space<hbm>>) target_semaphore(%arg9 : memref<!tpu.dma_semaphore, #tpu.memory_space<semaphore_mem>>)
    %add3A_690 = arith.constant 15 : i32
    %add3A_691 = arith.addi %mul3A_32, %add3A_690 : i32
    %dma_wait3A_692 = arith.constant 0 : i32
    %dma_wait3A_693 = arith.constant 0 : i32
    %dma_wait3A_694 = tpu.memref_slice %arg4[%select_n3A, %add3A_691, %dma_wait3A_692, %dma_wait3A_693] : memref<4x256x256x128xf32, #tpu.memory_space<hbm>> -> memref<1x1x256x128xf32, #tpu.memory_space<hbm>>
    %dma_wait3A_695 = tpu.memref_squeeze %dma_wait3A_694 : memref<1x1x256x128xf32, #tpu.memory_space<hbm>> -> memref<256x128xf32, #tpu.memory_space<hbm>>
    %dma_wait3A_696 = arith.constant 0 : i32
    %dma_wait3A_697 = arith.constant 0 : i32
    %dma_wait3A_698 = tpu.memref_slice %arg4[%select_n3A, %add3A_691, %dma_wait3A_696, %dma_wait3A_697] : memref<4x256x256x128xf32, #tpu.memory_space<hbm>> -> memref<1x1x256x128xf32, #tpu.memory_space<hbm>>
    %dma_wait3A_699 = tpu.memref_squeeze %dma_wait3A_698 : memref<1x1x256x128xf32, #tpu.memory_space<hbm>> -> memref<256x128xf32, #tpu.memory_space<hbm>>
    tpu.wait_dma2 semaphore(%arg10 : memref<!tpu.dma_semaphore, #tpu.memory_space<semaphore_mem>>) src(%arg6 : memref<256x128xf32, #tpu.memory_space<vmem>>) dst(%dma_wait3A_699 : memref<256x128xf32, #tpu.memory_space<hbm>>)
    %get3A_700 = arith.constant 17 : i32
    %get3A_701 = arith.index_cast %get3A_700 : i32 to index
    %get3A_702 = arith.constant 0 : index
    %get3A_703 = tpu.vector_load %arg7[%get3A_701, %get3A_702] {strides = array<i32>} : memref<32x64xf32, #tpu.memory_space<vmem>>, vector<1x16xf32>,
    %get3A_704 = vector.shape_cast %get3A_703 : vector<1x16xf32> to vector<16xf32>
    %get3A_705 = arith.constant 17 : i32
    %get3A_706 = arith.index_cast %get3A_705 : i32 to index
    %get3A_707 = arith.constant 16 : index
    %get3A_708 = tpu.vector_load %arg7[%get3A_706, %get3A_707] {strides = array<i32>} : memref<32x64xf32, #tpu.memory_space<vmem>>, vector<1x16xf32>,
    %get3A_709 = vector.shape_cast %get3A_708 : vector<1x16xf32> to vector<16xf32>
    %get3A_710 = arith.constant 17 : i32
    %get3A_711 = arith.index_cast %get3A_710 : i32 to index
    %get3A_712 = arith.constant 32 : index
    %get3A_713 = tpu.vector_load %arg7[%get3A_711, %get3A_712] {strides = array<i32>} : memref<32x64xf32, #tpu.memory_space<vmem>>, vector<1x16xf32>,
    %get3A_714 = vector.shape_cast %get3A_713 : vector<1x16xf32> to vector<16xf32>
    %get3A_715 = arith.constant 17 : i32
    %get3A_716 = arith.index_cast %get3A_715 : i32 to index
    %get3A_717 = arith.constant 48 : index
    %get3A_718 = tpu.vector_load %arg7[%get3A_716, %get3A_717] {strides = array<i32>} : memref<32x64xf32, #tpu.memory_space<vmem>>, vector<1x16xf32>,
    %get3A_719 = vector.shape_cast %get3A_718 : vector<1x16xf32> to vector<16xf32>
    %add3A_720 = arith.constant 17 : i32
    %add3A_721 = arith.addi %mul3A_32, %add3A_720 : i32
    %dma_start3A_722 = arith.constant 0 : i32
    %dma_start3A_723 = arith.constant 0 : i32
    %dma_start3A_724 = tpu.memref_slice %arg4[%select_n3A, %add3A_721, %dma_start3A_722, %dma_start3A_723] : memref<4x256x256x128xf32, #tpu.memory_space<hbm>> -> memref<1x1x256x128xf32, #tpu.memory_space<hbm>>
    %dma_start3A_725 = tpu.memref_squeeze %dma_start3A_724 : memref<1x1x256x128xf32, #tpu.memory_space<hbm>> -> memref<256x128xf32, #tpu.memory_space<hbm>>
    %dma_start3A_726 = arith.constant 0 : i32
    %dma_start3A_727 = arith.constant 0 : i32
    %dma_start3A_728 = tpu.memref_slice %arg4[%select_n3A, %add3A_721, %dma_start3A_726, %dma_start3A_727] : memref<4x256x256x128xf32, #tpu.memory_space<hbm>> -> memref<1x1x256x128xf32, #tpu.memory_space<hbm>>
    %dma_start3A_729 = tpu.memref_squeeze %dma_start3A_728 : memref<1x1x256x128xf32, #tpu.memory_space<hbm>> -> memref<256x128xf32, #tpu.memory_space<hbm>>
    tpu.enqueue_dma source(%arg6 : memref<256x128xf32, #tpu.memory_space<vmem>>) target(%dma_start3A_729 : memref<256x128xf32, #tpu.memory_space<hbm>>) target_semaphore(%arg10 : memref<!tpu.dma_semaphore, #tpu.memory_space<semaphore_mem>>)
    %add3A_730 = arith.constant 16 : i32
    %add3A_731 = arith.addi %mul3A_32, %add3A_730 : i32
    %dma_wait3A_732 = arith.constant 0 : i32
    %dma_wait3A_733 = arith.constant 0 : i32
    %dma_wait3A_734 = tpu.memref_slice %arg4[%select_n3A, %add3A_731, %dma_wait3A_732, %dma_wait3A_733] : memref<4x256x256x128xf32, #tpu.memory_space<hbm>> -> memref<1x1x256x128xf32, #tpu.memory_space<hbm>>
    %dma_wait3A_735 = tpu.memref_squeeze %dma_wait3A_734 : memref<1x1x256x128xf32, #tpu.memory_space<hbm>> -> memref<256x128xf32, #tpu.memory_space<hbm>>
    %dma_wait3A_736 = arith.constant 0 : i32
    %dma_wait3A_737 = arith.constant 0 : i32
    %dma_wait3A_738 = tpu.memref_slice %arg4[%select_n3A, %add3A_731, %dma_wait3A_736, %dma_wait3A_737] : memref<4x256x256x128xf32, #tpu.memory_space<hbm>> -> memref<1x1x256x128xf32, #tpu.memory_space<hbm>>
    %dma_wait3A_739 = tpu.memref_squeeze %dma_wait3A_738 : memref<1x1x256x128xf32, #tpu.memory_space<hbm>> -> memref<256x128xf32, #tpu.memory_space<hbm>>
    tpu.wait_dma2 semaphore(%arg9 : memref<!tpu.dma_semaphore, #tpu.memory_space<semaphore_mem>>) src(%arg5 : memref<256x128xf32, #tpu.memory_space<vmem>>) dst(%dma_wait3A_739 : memref<256x128xf32, #tpu.memory_space<hbm>>)
    %get3A_740 = arith.constant 18 : i32
    %get3A_741 = arith.index_cast %get3A_740 : i32 to index
    %get3A_742 = arith.constant 0 : index
    %get3A_743 = tpu.vector_load %arg7[%get3A_741, %get3A_742] {strides = array<i32>} : memref<32x64xf32, #tpu.memory_space<vmem>>, vector<1x16xf32>,
    %get3A_744 = vector.shape_cast %get3A_743 : vector<1x16xf32> to vector<16xf32>
    %get3A_745 = arith.constant 18 : i32
    %get3A_746 = arith.index_cast %get3A_745 : i32 to index
    %get3A_747 = arith.constant 16 : index
    %get3A_748 = tpu.vector_load %arg7[%get3A_746, %get3A_747] {strides = array<i32>} : memref<32x64xf32, #tpu.memory_space<vmem>>, vector<1x16xf32>,
    %get3A_749 = vector.shape_cast %get3A_748 : vector<1x16xf32> to vector<16xf32>
    %get3A_750 = arith.constant 18 : i32
    %get3A_751 = arith.index_cast %get3A_750 : i32 to index
    %get3A_752 = arith.constant 32 : index
    %get3A_753 = tpu.vector_load %arg7[%get3A_751, %get3A_752] {strides = array<i32>} : memref<32x64xf32, #tpu.memory_space<vmem>>, vector<1x16xf32>,
    %get3A_754 = vector.shape_cast %get3A_753 : vector<1x16xf32> to vector<16xf32>
    %get3A_755 = arith.constant 18 : i32
    %get3A_756 = arith.index_cast %get3A_755 : i32 to index
    %get3A_757 = arith.constant 48 : index
    %get3A_758 = tpu.vector_load %arg7[%get3A_756, %get3A_757] {strides = array<i32>} : memref<32x64xf32, #tpu.memory_space<vmem>>, vector<1x16xf32>,
    %get3A_759 = vector.shape_cast %get3A_758 : vector<1x16xf32> to vector<16xf32>
    %add3A_760 = arith.constant 18 : i32
    %add3A_761 = arith.addi %mul3A_32, %add3A_760 : i32
    %dma_start3A_762 = arith.constant 0 : i32
    %dma_start3A_763 = arith.constant 0 : i32
    %dma_start3A_764 = tpu.memref_slice %arg4[%select_n3A, %add3A_761, %dma_start3A_762, %dma_start3A_763] : memref<4x256x256x128xf32, #tpu.memory_space<hbm>> -> memref<1x1x256x128xf32, #tpu.memory_space<hbm>>
    %dma_start3A_765 = tpu.memref_squeeze %dma_start3A_764 : memref<1x1x256x128xf32, #tpu.memory_space<hbm>> -> memref<256x128xf32, #tpu.memory_space<hbm>>
    %dma_start3A_766 = arith.constant 0 : i32
    %dma_start3A_767 = arith.constant 0 : i32
    %dma_start3A_768 = tpu.memref_slice %arg4[%select_n3A, %add3A_761, %dma_start3A_766, %dma_start3A_767] : memref<4x256x256x128xf32, #tpu.memory_space<hbm>> -> memref<1x1x256x128xf32, #tpu.memory_space<hbm>>
    %dma_start3A_769 = tpu.memref_squeeze %dma_start3A_768 : memref<1x1x256x128xf32, #tpu.memory_space<hbm>> -> memref<256x128xf32, #tpu.memory_space<hbm>>
    tpu.enqueue_dma source(%arg5 : memref<256x128xf32, #tpu.memory_space<vmem>>) target(%dma_start3A_769 : memref<256x128xf32, #tpu.memory_space<hbm>>) target_semaphore(%arg9 : memref<!tpu.dma_semaphore, #tpu.memory_space<semaphore_mem>>)
    %add3A_770 = arith.constant 17 : i32
    %add3A_771 = arith.addi %mul3A_32, %add3A_770 : i32
    %dma_wait3A_772 = arith.constant 0 : i32
    %dma_wait3A_773 = arith.constant 0 : i32
    %dma_wait3A_774 = tpu.memref_slice %arg4[%select_n3A, %add3A_771, %dma_wait3A_772, %dma_wait3A_773] : memref<4x256x256x128xf32, #tpu.memory_space<hbm>> -> memref<1x1x256x128xf32, #tpu.memory_space<hbm>>
    %dma_wait3A_775 = tpu.memref_squeeze %dma_wait3A_774 : memref<1x1x256x128xf32, #tpu.memory_space<hbm>> -> memref<256x128xf32, #tpu.memory_space<hbm>>
    %dma_wait3A_776 = arith.constant 0 : i32
    %dma_wait3A_777 = arith.constant 0 : i32
    %dma_wait3A_778 = tpu.memref_slice %arg4[%select_n3A, %add3A_771, %dma_wait3A_776, %dma_wait3A_777] : memref<4x256x256x128xf32, #tpu.memory_space<hbm>> -> memref<1x1x256x128xf32, #tpu.memory_space<hbm>>
    %dma_wait3A_779 = tpu.memref_squeeze %dma_wait3A_778 : memref<1x1x256x128xf32, #tpu.memory_space<hbm>> -> memref<256x128xf32, #tpu.memory_space<hbm>>
    tpu.wait_dma2 semaphore(%arg10 : memref<!tpu.dma_semaphore, #tpu.memory_space<semaphore_mem>>) src(%arg6 : memref<256x128xf32, #tpu.memory_space<vmem>>) dst(%dma_wait3A_779 : memref<256x128xf32, #tpu.memory_space<hbm>>)
    %get3A_780 = arith.constant 19 : i32
    %get3A_781 = arith.index_cast %get3A_780 : i32 to index
    %get3A_782 = arith.constant 0 : index
    %get3A_783 = tpu.vector_load %arg7[%get3A_781, %get3A_782] {strides = array<i32>} : memref<32x64xf32, #tpu.memory_space<vmem>>, vector<1x16xf32>,
    %get3A_784 = vector.shape_cast %get3A_783 : vector<1x16xf32> to vector<16xf32>
    %get3A_785 = arith.constant 19 : i32
    %get3A_786 = arith.index_cast %get3A_785 : i32 to index
    %get3A_787 = arith.constant 16 : index
    %get3A_788 = tpu.vector_load %arg7[%get3A_786, %get3A_787] {strides = array<i32>} : memref<32x64xf32, #tpu.memory_space<vmem>>, vector<1x16xf32>,
    %get3A_789 = vector.shape_cast %get3A_788 : vector<1x16xf32> to vector<16xf32>
    %get3A_790 = arith.constant 19 : i32
    %get3A_791 = arith.index_cast %get3A_790 : i32 to index
    %get3A_792 = arith.constant 32 : index
    %get3A_793 = tpu.vector_load %arg7[%get3A_791, %get3A_792] {strides = array<i32>} : memref<32x64xf32, #tpu.memory_space<vmem>>, vector<1x16xf32>,
    %get3A_794 = vector.shape_cast %get3A_793 : vector<1x16xf32> to vector<16xf32>
    %get3A_795 = arith.constant 19 : i32
    %get3A_796 = arith.index_cast %get3A_795 : i32 to index
    %get3A_797 = arith.constant 48 : index
    %get3A_798 = tpu.vector_load %arg7[%get3A_796, %get3A_797] {strides = array<i32>} : memref<32x64xf32, #tpu.memory_space<vmem>>, vector<1x16xf32>,
    %get3A_799 = vector.shape_cast %get3A_798 : vector<1x16xf32> to vector<16xf32>
    %add3A_800 = arith.constant 19 : i32
    %add3A_801 = arith.addi %mul3A_32, %add3A_800 : i32
    %dma_start3A_802 = arith.constant 0 : i32
    %dma_start3A_803 = arith.constant 0 : i32
    %dma_start3A_804 = tpu.memref_slice %arg4[%select_n3A, %add3A_801, %dma_start3A_802, %dma_start3A_803] : memref<4x256x256x128xf32, #tpu.memory_space<hbm>> -> memref<1x1x256x128xf32, #tpu.memory_space<hbm>>
    %dma_start3A_805 = tpu.memref_squeeze %dma_start3A_804 : memref<1x1x256x128xf32, #tpu.memory_space<hbm>> -> memref<256x128xf32, #tpu.memory_space<hbm>>
    %dma_start3A_806 = arith.constant 0 : i32
    %dma_start3A_807 = arith.constant 0 : i32
    %dma_start3A_808 = tpu.memref_slice %arg4[%select_n3A, %add3A_801, %dma_start3A_806, %dma_start3A_807] : memref<4x256x256x128xf32, #tpu.memory_space<hbm>> -> memref<1x1x256x128xf32, #tpu.memory_space<hbm>>
    %dma_start3A_809 = tpu.memref_squeeze %dma_start3A_808 : memref<1x1x256x128xf32, #tpu.memory_space<hbm>> -> memref<256x128xf32, #tpu.memory_space<hbm>>
    tpu.enqueue_dma source(%arg6 : memref<256x128xf32, #tpu.memory_space<vmem>>) target(%dma_start3A_809 : memref<256x128xf32, #tpu.memory_space<hbm>>) target_semaphore(%arg10 : memref<!tpu.dma_semaphore, #tpu.memory_space<semaphore_mem>>)
    %add3A_810 = arith.constant 18 : i32
    %add3A_811 = arith.addi %mul3A_32, %add3A_810 : i32
    %dma_wait3A_812 = arith.constant 0 : i32
    %dma_wait3A_813 = arith.constant 0 : i32
    %dma_wait3A_814 = tpu.memref_slice %arg4[%select_n3A, %add3A_811, %dma_wait3A_812, %dma_wait3A_813] : memref<4x256x256x128xf32, #tpu.memory_space<hbm>> -> memref<1x1x256x128xf32, #tpu.memory_space<hbm>>
    %dma_wait3A_815 = tpu.memref_squeeze %dma_wait3A_814 : memref<1x1x256x128xf32, #tpu.memory_space<hbm>> -> memref<256x128xf32, #tpu.memory_space<hbm>>
    %dma_wait3A_816 = arith.constant 0 : i32
    %dma_wait3A_817 = arith.constant 0 : i32
    %dma_wait3A_818 = tpu.memref_slice %arg4[%select_n3A, %add3A_811, %dma_wait3A_816, %dma_wait3A_817] : memref<4x256x256x128xf32, #tpu.memory_space<hbm>> -> memref<1x1x256x128xf32, #tpu.memory_space<hbm>>
    %dma_wait3A_819 = tpu.memref_squeeze %dma_wait3A_818 : memref<1x1x256x128xf32, #tpu.memory_space<hbm>> -> memref<256x128xf32, #tpu.memory_space<hbm>>
    tpu.wait_dma2 semaphore(%arg9 : memref<!tpu.dma_semaphore, #tpu.memory_space<semaphore_mem>>) src(%arg5 : memref<256x128xf32, #tpu.memory_space<vmem>>) dst(%dma_wait3A_819 : memref<256x128xf32, #tpu.memory_space<hbm>>)
    %get3A_820 = arith.constant 20 : i32
    %get3A_821 = arith.index_cast %get3A_820 : i32 to index
    %get3A_822 = arith.constant 0 : index
    %get3A_823 = tpu.vector_load %arg7[%get3A_821, %get3A_822] {strides = array<i32>} : memref<32x64xf32, #tpu.memory_space<vmem>>, vector<1x16xf32>,
    %get3A_824 = vector.shape_cast %get3A_823 : vector<1x16xf32> to vector<16xf32>
    %get3A_825 = arith.constant 20 : i32
    %get3A_826 = arith.index_cast %get3A_825 : i32 to index
    %get3A_827 = arith.constant 16 : index
    %get3A_828 = tpu.vector_load %arg7[%get3A_826, %get3A_827] {strides = array<i32>} : memref<32x64xf32, #tpu.memory_space<vmem>>, vector<1x16xf32>,
    %get3A_829 = vector.shape_cast %get3A_828 : vector<1x16xf32> to vector<16xf32>
    %get3A_830 = arith.constant 20 : i32
    %get3A_831 = arith.index_cast %get3A_830 : i32 to index
    %get3A_832 = arith.constant 32 : index
    %get3A_833 = tpu.vector_load %arg7[%get3A_831, %get3A_832] {strides = array<i32>} : memref<32x64xf32, #tpu.memory_space<vmem>>, vector<1x16xf32>,
    %get3A_834 = vector.shape_cast %get3A_833 : vector<1x16xf32> to vector<16xf32>
    %get3A_835 = arith.constant 20 : i32
    %get3A_836 = arith.index_cast %get3A_835 : i32 to index
    %get3A_837 = arith.constant 48 : index
    %get3A_838 = tpu.vector_load %arg7[%get3A_836, %get3A_837] {strides = array<i32>} : memref<32x64xf32, #tpu.memory_space<vmem>>, vector<1x16xf32>,
    %get3A_839 = vector.shape_cast %get3A_838 : vector<1x16xf32> to vector<16xf32>
    %add3A_840 = arith.constant 20 : i32
    %add3A_841 = arith.addi %mul3A_32, %add3A_840 : i32
    %dma_start3A_842 = arith.constant 0 : i32
    %dma_start3A_843 = arith.constant 0 : i32
    %dma_start3A_844 = tpu.memref_slice %arg4[%select_n3A, %add3A_841, %dma_start3A_842, %dma_start3A_843] : memref<4x256x256x128xf32, #tpu.memory_space<hbm>> -> memref<1x1x256x128xf32, #tpu.memory_space<hbm>>
    %dma_start3A_845 = tpu.memref_squeeze %dma_start3A_844 : memref<1x1x256x128xf32, #tpu.memory_space<hbm>> -> memref<256x128xf32, #tpu.memory_space<hbm>>
    %dma_start3A_846 = arith.constant 0 : i32
    %dma_start3A_847 = arith.constant 0 : i32
    %dma_start3A_848 = tpu.memref_slice %arg4[%select_n3A, %add3A_841, %dma_start3A_846, %dma_start3A_847] : memref<4x256x256x128xf32, #tpu.memory_space<hbm>> -> memref<1x1x256x128xf32, #tpu.memory_space<hbm>>
    %dma_start3A_849 = tpu.memref_squeeze %dma_start3A_848 : memref<1x1x256x128xf32, #tpu.memory_space<hbm>> -> memref<256x128xf32, #tpu.memory_space<hbm>>
    tpu.enqueue_dma source(%arg5 : memref<256x128xf32, #tpu.memory_space<vmem>>) target(%dma_start3A_849 : memref<256x128xf32, #tpu.memory_space<hbm>>) target_semaphore(%arg9 : memref<!tpu.dma_semaphore, #tpu.memory_space<semaphore_mem>>)
    %add3A_850 = arith.constant 19 : i32
    %add3A_851 = arith.addi %mul3A_32, %add3A_850 : i32
    %dma_wait3A_852 = arith.constant 0 : i32
    %dma_wait3A_853 = arith.constant 0 : i32
    %dma_wait3A_854 = tpu.memref_slice %arg4[%select_n3A, %add3A_851, %dma_wait3A_852, %dma_wait3A_853] : memref<4x256x256x128xf32, #tpu.memory_space<hbm>> -> memref<1x1x256x128xf32, #tpu.memory_space<hbm>>
    %dma_wait3A_855 = tpu.memref_squeeze %dma_wait3A_854 : memref<1x1x256x128xf32, #tpu.memory_space<hbm>> -> memref<256x128xf32, #tpu.memory_space<hbm>>
    %dma_wait3A_856 = arith.constant 0 : i32
    %dma_wait3A_857 = arith.constant 0 : i32
    %dma_wait3A_858 = tpu.memref_slice %arg4[%select_n3A, %add3A_851, %dma_wait3A_856, %dma_wait3A_857] : memref<4x256x256x128xf32, #tpu.memory_space<hbm>> -> memref<1x1x256x128xf32, #tpu.memory_space<hbm>>
    %dma_wait3A_859 = tpu.memref_squeeze %dma_wait3A_858 : memref<1x1x256x128xf32, #tpu.memory_space<hbm>> -> memref<256x128xf32, #tpu.memory_space<hbm>>
    tpu.wait_dma2 semaphore(%arg10 : memref<!tpu.dma_semaphore, #tpu.memory_space<semaphore_mem>>) src(%arg6 : memref<256x128xf32, #tpu.memory_space<vmem>>) dst(%dma_wait3A_859 : memref<256x128xf32, #tpu.memory_space<hbm>>)
    %get3A_860 = arith.constant 21 : i32
    %get3A_861 = arith.index_cast %get3A_860 : i32 to index
    %get3A_862 = arith.constant 0 : index
    %get3A_863 = tpu.vector_load %arg7[%get3A_861, %get3A_862] {strides = array<i32>} : memref<32x64xf32, #tpu.memory_space<vmem>>, vector<1x16xf32>,
    %get3A_864 = vector.shape_cast %get3A_863 : vector<1x16xf32> to vector<16xf32>
    %get3A_865 = arith.constant 21 : i32
    %get3A_866 = arith.index_cast %get3A_865 : i32 to index
    %get3A_867 = arith.constant 16 : index
    %get3A_868 = tpu.vector_load %arg7[%get3A_866, %get3A_867] {strides = array<i32>} : memref<32x64xf32, #tpu.memory_space<vmem>>, vector<1x16xf32>,
    %get3A_869 = vector.shape_cast %get3A_868 : vector<1x16xf32> to vector<16xf32>
    %get3A_870 = arith.constant 21 : i32
    %get3A_871 = arith.index_cast %get3A_870 : i32 to index
    %get3A_872 = arith.constant 32 : index
    %get3A_873 = tpu.vector_load %arg7[%get3A_871, %get3A_872] {strides = array<i32>} : memref<32x64xf32, #tpu.memory_space<vmem>>, vector<1x16xf32>,
    %get3A_874 = vector.shape_cast %get3A_873 : vector<1x16xf32> to vector<16xf32>
    %get3A_875 = arith.constant 21 : i32
    %get3A_876 = arith.index_cast %get3A_875 : i32 to index
    %get3A_877 = arith.constant 48 : index
    %get3A_878 = tpu.vector_load %arg7[%get3A_876, %get3A_877] {strides = array<i32>} : memref<32x64xf32, #tpu.memory_space<vmem>>, vector<1x16xf32>,
    %get3A_879 = vector.shape_cast %get3A_878 : vector<1x16xf32> to vector<16xf32>
    %add3A_880 = arith.constant 21 : i32
    %add3A_881 = arith.addi %mul3A_32, %add3A_880 : i32
    %dma_start3A_882 = arith.constant 0 : i32
    %dma_start3A_883 = arith.constant 0 : i32
    %dma_start3A_884 = tpu.memref_slice %arg4[%select_n3A, %add3A_881, %dma_start3A_882, %dma_start3A_883] : memref<4x256x256x128xf32, #tpu.memory_space<hbm>> -> memref<1x1x256x128xf32, #tpu.memory_space<hbm>>
    %dma_start3A_885 = tpu.memref_squeeze %dma_start3A_884 : memref<1x1x256x128xf32, #tpu.memory_space<hbm>> -> memref<256x128xf32, #tpu.memory_space<hbm>>
    %dma_start3A_886 = arith.constant 0 : i32
    %dma_start3A_887 = arith.constant 0 : i32
    %dma_start3A_888 = tpu.memref_slice %arg4[%select_n3A, %add3A_881, %dma_start3A_886, %dma_start3A_887] : memref<4x256x256x128xf32, #tpu.memory_space<hbm>> -> memref<1x1x256x128xf32, #tpu.memory_space<hbm>>
    %dma_start3A_889 = tpu.memref_squeeze %dma_start3A_888 : memref<1x1x256x128xf32, #tpu.memory_space<hbm>> -> memref<256x128xf32, #tpu.memory_space<hbm>>
    tpu.enqueue_dma source(%arg6 : memref<256x128xf32, #tpu.memory_space<vmem>>) target(%dma_start3A_889 : memref<256x128xf32, #tpu.memory_space<hbm>>) target_semaphore(%arg10 : memref<!tpu.dma_semaphore, #tpu.memory_space<semaphore_mem>>)
    %add3A_890 = arith.constant 20 : i32
    %add3A_891 = arith.addi %mul3A_32, %add3A_890 : i32
    %dma_wait3A_892 = arith.constant 0 : i32
    %dma_wait3A_893 = arith.constant 0 : i32
    %dma_wait3A_894 = tpu.memref_slice %arg4[%select_n3A, %add3A_891, %dma_wait3A_892, %dma_wait3A_893] : memref<4x256x256x128xf32, #tpu.memory_space<hbm>> -> memref<1x1x256x128xf32, #tpu.memory_space<hbm>>
    %dma_wait3A_895 = tpu.memref_squeeze %dma_wait3A_894 : memref<1x1x256x128xf32, #tpu.memory_space<hbm>> -> memref<256x128xf32, #tpu.memory_space<hbm>>
    %dma_wait3A_896 = arith.constant 0 : i32
    %dma_wait3A_897 = arith.constant 0 : i32
    %dma_wait3A_898 = tpu.memref_slice %arg4[%select_n3A, %add3A_891, %dma_wait3A_896, %dma_wait3A_897] : memref<4x256x256x128xf32, #tpu.memory_space<hbm>> -> memref<1x1x256x128xf32, #tpu.memory_space<hbm>>
    %dma_wait3A_899 = tpu.memref_squeeze %dma_wait3A_898 : memref<1x1x256x128xf32, #tpu.memory_space<hbm>> -> memref<256x128xf32, #tpu.memory_space<hbm>>
    tpu.wait_dma2 semaphore(%arg9 : memref<!tpu.dma_semaphore, #tpu.memory_space<semaphore_mem>>) src(%arg5 : memref<256x128xf32, #tpu.memory_space<vmem>>) dst(%dma_wait3A_899 : memref<256x128xf32, #tpu.memory_space<hbm>>)
    %get3A_900 = arith.constant 22 : i32
    %get3A_901 = arith.index_cast %get3A_900 : i32 to index
    %get3A_902 = arith.constant 0 : index
    %get3A_903 = tpu.vector_load %arg7[%get3A_901, %get3A_902] {strides = array<i32>} : memref<32x64xf32, #tpu.memory_space<vmem>>, vector<1x16xf32>,
    %get3A_904 = vector.shape_cast %get3A_903 : vector<1x16xf32> to vector<16xf32>
    %get3A_905 = arith.constant 22 : i32
    %get3A_906 = arith.index_cast %get3A_905 : i32 to index
    %get3A_907 = arith.constant 16 : index
    %get3A_908 = tpu.vector_load %arg7[%get3A_906, %get3A_907] {strides = array<i32>} : memref<32x64xf32, #tpu.memory_space<vmem>>, vector<1x16xf32>,
    %get3A_909 = vector.shape_cast %get3A_908 : vector<1x16xf32> to vector<16xf32>
    %get3A_910 = arith.constant 22 : i32
    %get3A_911 = arith.index_cast %get3A_910 : i32 to index
    %get3A_912 = arith.constant 32 : index
    %get3A_913 = tpu.vector_load %arg7[%get3A_911, %get3A_912] {strides = array<i32>} : memref<32x64xf32, #tpu.memory_space<vmem>>, vector<1x16xf32>,
    %get3A_914 = vector.shape_cast %get3A_913 : vector<1x16xf32> to vector<16xf32>
    %get3A_915 = arith.constant 22 : i32
    %get3A_916 = arith.index_cast %get3A_915 : i32 to index
    %get3A_917 = arith.constant 48 : index
    %get3A_918 = tpu.vector_load %arg7[%get3A_916, %get3A_917] {strides = array<i32>} : memref<32x64xf32, #tpu.memory_space<vmem>>, vector<1x16xf32>,
    %get3A_919 = vector.shape_cast %get3A_918 : vector<1x16xf32> to vector<16xf32>
    %add3A_920 = arith.constant 22 : i32
    %add3A_921 = arith.addi %mul3A_32, %add3A_920 : i32
    %dma_start3A_922 = arith.constant 0 : i32
    %dma_start3A_923 = arith.constant 0 : i32
    %dma_start3A_924 = tpu.memref_slice %arg4[%select_n3A, %add3A_921, %dma_start3A_922, %dma_start3A_923] : memref<4x256x256x128xf32, #tpu.memory_space<hbm>> -> memref<1x1x256x128xf32, #tpu.memory_space<hbm>>
    %dma_start3A_925 = tpu.memref_squeeze %dma_start3A_924 : memref<1x1x256x128xf32, #tpu.memory_space<hbm>> -> memref<256x128xf32, #tpu.memory_space<hbm>>
    %dma_start3A_926 = arith.constant 0 : i32
    %dma_start3A_927 = arith.constant 0 : i32
    %dma_start3A_928 = tpu.memref_slice %arg4[%select_n3A, %add3A_921, %dma_start3A_926, %dma_start3A_927] : memref<4x256x256x128xf32, #tpu.memory_space<hbm>> -> memref<1x1x256x128xf32, #tpu.memory_space<hbm>>
    %dma_start3A_929 = tpu.memref_squeeze %dma_start3A_928 : memref<1x1x256x128xf32, #tpu.memory_space<hbm>> -> memref<256x128xf32, #tpu.memory_space<hbm>>
    tpu.enqueue_dma source(%arg5 : memref<256x128xf32, #tpu.memory_space<vmem>>) target(%dma_start3A_929 : memref<256x128xf32, #tpu.memory_space<hbm>>) target_semaphore(%arg9 : memref<!tpu.dma_semaphore, #tpu.memory_space<semaphore_mem>>)
    %add3A_930 = arith.constant 21 : i32
    %add3A_931 = arith.addi %mul3A_32, %add3A_930 : i32
    %dma_wait3A_932 = arith.constant 0 : i32
    %dma_wait3A_933 = arith.constant 0 : i32
    %dma_wait3A_934 = tpu.memref_slice %arg4[%select_n3A, %add3A_931, %dma_wait3A_932, %dma_wait3A_933] : memref<4x256x256x128xf32, #tpu.memory_space<hbm>> -> memref<1x1x256x128xf32, #tpu.memory_space<hbm>>
    %dma_wait3A_935 = tpu.memref_squeeze %dma_wait3A_934 : memref<1x1x256x128xf32, #tpu.memory_space<hbm>> -> memref<256x128xf32, #tpu.memory_space<hbm>>
    %dma_wait3A_936 = arith.constant 0 : i32
    %dma_wait3A_937 = arith.constant 0 : i32
    %dma_wait3A_938 = tpu.memref_slice %arg4[%select_n3A, %add3A_931, %dma_wait3A_936, %dma_wait3A_937] : memref<4x256x256x128xf32, #tpu.memory_space<hbm>> -> memref<1x1x256x128xf32, #tpu.memory_space<hbm>>
    %dma_wait3A_939 = tpu.memref_squeeze %dma_wait3A_938 : memref<1x1x256x128xf32, #tpu.memory_space<hbm>> -> memref<256x128xf32, #tpu.memory_space<hbm>>
    tpu.wait_dma2 semaphore(%arg10 : memref<!tpu.dma_semaphore, #tpu.memory_space<semaphore_mem>>) src(%arg6 : memref<256x128xf32, #tpu.memory_space<vmem>>) dst(%dma_wait3A_939 : memref<256x128xf32, #tpu.memory_space<hbm>>)
    %get3A_940 = arith.constant 23 : i32
    %get3A_941 = arith.index_cast %get3A_940 : i32 to index
    %get3A_942 = arith.constant 0 : index
    %get3A_943 = tpu.vector_load %arg7[%get3A_941, %get3A_942] {strides = array<i32>} : memref<32x64xf32, #tpu.memory_space<vmem>>, vector<1x16xf32>,
    %get3A_944 = vector.shape_cast %get3A_943 : vector<1x16xf32> to vector<16xf32>
    %get3A_945 = arith.constant 23 : i32
    %get3A_946 = arith.index_cast %get3A_945 : i32 to index
    %get3A_947 = arith.constant 16 : index
    %get3A_948 = tpu.vector_load %arg7[%get3A_946, %get3A_947] {strides = array<i32>} : memref<32x64xf32, #tpu.memory_space<vmem>>, vector<1x16xf32>,
    %get3A_949 = vector.shape_cast %get3A_948 : vector<1x16xf32> to vector<16xf32>
    %get3A_950 = arith.constant 23 : i32
    %get3A_951 = arith.index_cast %get3A_950 : i32 to index
    %get3A_952 = arith.constant 32 : index
    %get3A_953 = tpu.vector_load %arg7[%get3A_951, %get3A_952] {strides = array<i32>} : memref<32x64xf32, #tpu.memory_space<vmem>>, vector<1x16xf32>,
    %get3A_954 = vector.shape_cast %get3A_953 : vector<1x16xf32> to vector<16xf32>
    %get3A_955 = arith.constant 23 : i32
    %get3A_956 = arith.index_cast %get3A_955 : i32 to index
    %get3A_957 = arith.constant 48 : index
    %get3A_958 = tpu.vector_load %arg7[%get3A_956, %get3A_957] {strides = array<i32>} : memref<32x64xf32, #tpu.memory_space<vmem>>, vector<1x16xf32>,
    %get3A_959 = vector.shape_cast %get3A_958 : vector<1x16xf32> to vector<16xf32>
    %add3A_960 = arith.constant 23 : i32
    %add3A_961 = arith.addi %mul3A_32, %add3A_960 : i32
    %dma_start3A_962 = arith.constant 0 : i32
    %dma_start3A_963 = arith.constant 0 : i32
    %dma_start3A_964 = tpu.memref_slice %arg4[%select_n3A, %add3A_961, %dma_start3A_962, %dma_start3A_963] : memref<4x256x256x128xf32, #tpu.memory_space<hbm>> -> memref<1x1x256x128xf32, #tpu.memory_space<hbm>>
    %dma_start3A_965 = tpu.memref_squeeze %dma_start3A_964 : memref<1x1x256x128xf32, #tpu.memory_space<hbm>> -> memref<256x128xf32, #tpu.memory_space<hbm>>
    %dma_start3A_966 = arith.constant 0 : i32
    %dma_start3A_967 = arith.constant 0 : i32
    %dma_start3A_968 = tpu.memref_slice %arg4[%select_n3A, %add3A_961, %dma_start3A_966, %dma_start3A_967] : memref<4x256x256x128xf32, #tpu.memory_space<hbm>> -> memref<1x1x256x128xf32, #tpu.memory_space<hbm>>
    %dma_start3A_969 = tpu.memref_squeeze %dma_start3A_968 : memref<1x1x256x128xf32, #tpu.memory_space<hbm>> -> memref<256x128xf32, #tpu.memory_space<hbm>>
    tpu.enqueue_dma source(%arg6 : memref<256x128xf32, #tpu.memory_space<vmem>>) target(%dma_start3A_969 : memref<256x128xf32, #tpu.memory_space<hbm>>) target_semaphore(%arg10 : memref<!tpu.dma_semaphore, #tpu.memory_space<semaphore_mem>>)
    %add3A_970 = arith.constant 22 : i32
    %add3A_971 = arith.addi %mul3A_32, %add3A_970 : i32
    %dma_wait3A_972 = arith.constant 0 : i32
    %dma_wait3A_973 = arith.constant 0 : i32
    %dma_wait3A_974 = tpu.memref_slice %arg4[%select_n3A, %add3A_971, %dma_wait3A_972, %dma_wait3A_973] : memref<4x256x256x128xf32, #tpu.memory_space<hbm>> -> memref<1x1x256x128xf32, #tpu.memory_space<hbm>>
    %dma_wait3A_975 = tpu.memref_squeeze %dma_wait3A_974 : memref<1x1x256x128xf32, #tpu.memory_space<hbm>> -> memref<256x128xf32, #tpu.memory_space<hbm>>
    %dma_wait3A_976 = arith.constant 0 : i32
    %dma_wait3A_977 = arith.constant 0 : i32
    %dma_wait3A_978 = tpu.memref_slice %arg4[%select_n3A, %add3A_971, %dma_wait3A_976, %dma_wait3A_977] : memref<4x256x256x128xf32, #tpu.memory_space<hbm>> -> memref<1x1x256x128xf32, #tpu.memory_space<hbm>>
    %dma_wait3A_979 = tpu.memref_squeeze %dma_wait3A_978 : memref<1x1x256x128xf32, #tpu.memory_space<hbm>> -> memref<256x128xf32, #tpu.memory_space<hbm>>
    tpu.wait_dma2 semaphore(%arg9 : memref<!tpu.dma_semaphore, #tpu.memory_space<semaphore_mem>>) src(%arg5 : memref<256x128xf32, #tpu.memory_space<vmem>>) dst(%dma_wait3A_979 : memref<256x128xf32, #tpu.memory_space<hbm>>)
    %get3A_980 = arith.constant 24 : i32
    %get3A_981 = arith.index_cast %get3A_980 : i32 to index
    %get3A_982 = arith.constant 0 : index
    %get3A_983 = tpu.vector_load %arg7[%get3A_981, %get3A_982] {strides = array<i32>} : memref<32x64xf32, #tpu.memory_space<vmem>>, vector<1x16xf32>,
    %get3A_984 = vector.shape_cast %get3A_983 : vector<1x16xf32> to vector<16xf32>
    %get3A_985 = arith.constant 24 : i32
    %get3A_986 = arith.index_cast %get3A_985 : i32 to index
    %get3A_987 = arith.constant 16 : index
    %get3A_988 = tpu.vector_load %arg7[%get3A_986, %get3A_987] {strides = array<i32>} : memref<32x64xf32, #tpu.memory_space<vmem>>, vector<1x16xf32>,
    %get3A_989 = vector.shape_cast %get3A_988 : vector<1x16xf32> to vector<16xf32>
    %get3A_990 = arith.constant 24 : i32
    %get3A_991 = arith.index_cast %get3A_990 : i32 to index
    %get3A_992 = arith.constant 32 : index
    %get3A_993 = tpu.vector_load %arg7[%get3A_991, %get3A_992] {strides = array<i32>} : memref<32x64xf32, #tpu.memory_space<vmem>>, vector<1x16xf32>,
    %get3A_994 = vector.shape_cast %get3A_993 : vector<1x16xf32> to vector<16xf32>
    %get3A_995 = arith.constant 24 : i32
    %get3A_996 = arith.index_cast %get3A_995 : i32 to index
    %get3A_997 = arith.constant 48 : index
    %get3A_998 = tpu.vector_load %arg7[%get3A_996, %get3A_997] {strides = array<i32>} : memref<32x64xf32, #tpu.memory_space<vmem>>, vector<1x16xf32>,
    %get3A_999 = vector.shape_cast %get3A_998 : vector<1x16xf32> to vector<16xf32>
    %add3A_1000 = arith.constant 24 : i32
    %add3A_1001 = arith.addi %mul3A_32, %add3A_1000 : i32
    %dma_start3A_1002 = arith.constant 0 : i32
    %dma_start3A_1003 = arith.constant 0 : i32
    %dma_start3A_1004 = tpu.memref_slice %arg4[%select_n3A, %add3A_1001, %dma_start3A_1002, %dma_start3A_1003] : memref<4x256x256x128xf32, #tpu.memory_space<hbm>> -> memref<1x1x256x128xf32, #tpu.memory_space<hbm>>
    %dma_start3A_1005 = tpu.memref_squeeze %dma_start3A_1004 : memref<1x1x256x128xf32, #tpu.memory_space<hbm>> -> memref<256x128xf32, #tpu.memory_space<hbm>>
    %dma_start3A_1006 = arith.constant 0 : i32
    %dma_start3A_1007 = arith.constant 0 : i32
    %dma_start3A_1008 = tpu.memref_slice %arg4[%select_n3A, %add3A_1001, %dma_start3A_1006, %dma_start3A_1007] : memref<4x256x256x128xf32, #tpu.memory_space<hbm>> -> memref<1x1x256x128xf32, #tpu.memory_space<hbm>>
    %dma_start3A_1009 = tpu.memref_squeeze %dma_start3A_1008 : memref<1x1x256x128xf32, #tpu.memory_space<hbm>> -> memref<256x128xf32, #tpu.memory_space<hbm>>
    tpu.enqueue_dma source(%arg5 : memref<256x128xf32, #tpu.memory_space<vmem>>) target(%dma_start3A_1009 : memref<256x128xf32, #tpu.memory_space<hbm>>) target_semaphore(%arg9 : memref<!tpu.dma_semaphore, #tpu.memory_space<semaphore_mem>>)
    %add3A_1010 = arith.constant 23 : i32
    %add3A_1011 = arith.addi %mul3A_32, %add3A_1010 : i32
    %dma_wait3A_1012 = arith.constant 0 : i32
    %dma_wait3A_1013 = arith.constant 0 : i32
    %dma_wait3A_1014 = tpu.memref_slice %arg4[%select_n3A, %add3A_1011, %dma_wait3A_1012, %dma_wait3A_1013] : memref<4x256x256x128xf32, #tpu.memory_space<hbm>> -> memref<1x1x256x128xf32, #tpu.memory_space<hbm>>
    %dma_wait3A_1015 = tpu.memref_squeeze %dma_wait3A_1014 : memref<1x1x256x128xf32, #tpu.memory_space<hbm>> -> memref<256x128xf32, #tpu.memory_space<hbm>>
    %dma_wait3A_1016 = arith.constant 0 : i32
    %dma_wait3A_1017 = arith.constant 0 : i32
    %dma_wait3A_1018 = tpu.memref_slice %arg4[%select_n3A, %add3A_1011, %dma_wait3A_1016, %dma_wait3A_1017] : memref<4x256x256x128xf32, #tpu.memory_space<hbm>> -> memref<1x1x256x128xf32, #tpu.memory_space<hbm>>
    %dma_wait3A_1019 = tpu.memref_squeeze %dma_wait3A_1018 : memref<1x1x256x128xf32, #tpu.memory_space<hbm>> -> memref<256x128xf32, #tpu.memory_space<hbm>>
    tpu.wait_dma2 semaphore(%arg10 : memref<!tpu.dma_semaphore, #tpu.memory_space<semaphore_mem>>) src(%arg6 : memref<256x128xf32, #tpu.memory_space<vmem>>) dst(%dma_wait3A_1019 : memref<256x128xf32, #tpu.memory_space<hbm>>)
    %get3A_1020 = arith.constant 25 : i32
    %get3A_1021 = arith.index_cast %get3A_1020 : i32 to index
    %get3A_1022 = arith.constant 0 : index
    %get3A_1023 = tpu.vector_load %arg7[%get3A_1021, %get3A_1022] {strides = array<i32>} : memref<32x64xf32, #tpu.memory_space<vmem>>, vector<1x16xf32>,
    %get3A_1024 = vector.shape_cast %get3A_1023 : vector<1x16xf32> to vector<16xf32>
    %get3A_1025 = arith.constant 25 : i32
    %get3A_1026 = arith.index_cast %get3A_1025 : i32 to index
    %get3A_1027 = arith.constant 16 : index
    %get3A_1028 = tpu.vector_load %arg7[%get3A_1026, %get3A_1027] {strides = array<i32>} : memref<32x64xf32, #tpu.memory_space<vmem>>, vector<1x16xf32>,
    %get3A_1029 = vector.shape_cast %get3A_1028 : vector<1x16xf32> to vector<16xf32>
    %get3A_1030 = arith.constant 25 : i32
    %get3A_1031 = arith.index_cast %get3A_1030 : i32 to index
    %get3A_1032 = arith.constant 32 : index
    %get3A_1033 = tpu.vector_load %arg7[%get3A_1031, %get3A_1032] {strides = array<i32>} : memref<32x64xf32, #tpu.memory_space<vmem>>, vector<1x16xf32>,
    %get3A_1034 = vector.shape_cast %get3A_1033 : vector<1x16xf32> to vector<16xf32>
    %get3A_1035 = arith.constant 25 : i32
    %get3A_1036 = arith.index_cast %get3A_1035 : i32 to index
    %get3A_1037 = arith.constant 48 : index
    %get3A_1038 = tpu.vector_load %arg7[%get3A_1036, %get3A_1037] {strides = array<i32>} : memref<32x64xf32, #tpu.memory_space<vmem>>, vector<1x16xf32>,
    %get3A_1039 = vector.shape_cast %get3A_1038 : vector<1x16xf32> to vector<16xf32>
    %add3A_1040 = arith.constant 25 : i32
    %add3A_1041 = arith.addi %mul3A_32, %add3A_1040 : i32
    %dma_start3A_1042 = arith.constant 0 : i32
    %dma_start3A_1043 = arith.constant 0 : i32
    %dma_start3A_1044 = tpu.memref_slice %arg4[%select_n3A, %add3A_1041, %dma_start3A_1042, %dma_start3A_1043] : memref<4x256x256x128xf32, #tpu.memory_space<hbm>> -> memref<1x1x256x128xf32, #tpu.memory_space<hbm>>
    %dma_start3A_1045 = tpu.memref_squeeze %dma_start3A_1044 : memref<1x1x256x128xf32, #tpu.memory_space<hbm>> -> memref<256x128xf32, #tpu.memory_space<hbm>>
    %dma_start3A_1046 = arith.constant 0 : i32
    %dma_start3A_1047 = arith.constant 0 : i32
    %dma_start3A_1048 = tpu.memref_slice %arg4[%select_n3A, %add3A_1041, %dma_start3A_1046, %dma_start3A_1047] : memref<4x256x256x128xf32, #tpu.memory_space<hbm>> -> memref<1x1x256x128xf32, #tpu.memory_space<hbm>>
    %dma_start3A_1049 = tpu.memref_squeeze %dma_start3A_1048 : memref<1x1x256x128xf32, #tpu.memory_space<hbm>> -> memref<256x128xf32, #tpu.memory_space<hbm>>
    tpu.enqueue_dma source(%arg6 : memref<256x128xf32, #tpu.memory_space<vmem>>) target(%dma_start3A_1049 : memref<256x128xf32, #tpu.memory_space<hbm>>) target_semaphore(%arg10 : memref<!tpu.dma_semaphore, #tpu.memory_space<semaphore_mem>>)
    %add3A_1050 = arith.constant 24 : i32
    %add3A_1051 = arith.addi %mul3A_32, %add3A_1050 : i32
    %dma_wait3A_1052 = arith.constant 0 : i32
    %dma_wait3A_1053 = arith.constant 0 : i32
    %dma_wait3A_1054 = tpu.memref_slice %arg4[%select_n3A, %add3A_1051, %dma_wait3A_1052, %dma_wait3A_1053] : memref<4x256x256x128xf32, #tpu.memory_space<hbm>> -> memref<1x1x256x128xf32, #tpu.memory_space<hbm>>
    %dma_wait3A_1055 = tpu.memref_squeeze %dma_wait3A_1054 : memref<1x1x256x128xf32, #tpu.memory_space<hbm>> -> memref<256x128xf32, #tpu.memory_space<hbm>>
    %dma_wait3A_1056 = arith.constant 0 : i32
    %dma_wait3A_1057 = arith.constant 0 : i32
    %dma_wait3A_1058 = tpu.memref_slice %arg4[%select_n3A, %add3A_1051, %dma_wait3A_1056, %dma_wait3A_1057] : memref<4x256x256x128xf32, #tpu.memory_space<hbm>> -> memref<1x1x256x128xf32, #tpu.memory_space<hbm>>
    %dma_wait3A_1059 = tpu.memref_squeeze %dma_wait3A_1058 : memref<1x1x256x128xf32, #tpu.memory_space<hbm>> -> memref<256x128xf32, #tpu.memory_space<hbm>>
    tpu.wait_dma2 semaphore(%arg9 : memref<!tpu.dma_semaphore, #tpu.memory_space<semaphore_mem>>) src(%arg5 : memref<256x128xf32, #tpu.memory_space<vmem>>) dst(%dma_wait3A_1059 : memref<256x128xf32, #tpu.memory_space<hbm>>)
    %get3A_1060 = arith.constant 26 : i32
    %get3A_1061 = arith.index_cast %get3A_1060 : i32 to index
    %get3A_1062 = arith.constant 0 : index
    %get3A_1063 = tpu.vector_load %arg7[%get3A_1061, %get3A_1062] {strides = array<i32>} : memref<32x64xf32, #tpu.memory_space<vmem>>, vector<1x16xf32>,
    %get3A_1064 = vector.shape_cast %get3A_1063 : vector<1x16xf32> to vector<16xf32>
    %get3A_1065 = arith.constant 26 : i32
    %get3A_1066 = arith.index_cast %get3A_1065 : i32 to index
    %get3A_1067 = arith.constant 16 : index
    %get3A_1068 = tpu.vector_load %arg7[%get3A_1066, %get3A_1067] {strides = array<i32>} : memref<32x64xf32, #tpu.memory_space<vmem>>, vector<1x16xf32>,
    %get3A_1069 = vector.shape_cast %get3A_1068 : vector<1x16xf32> to vector<16xf32>
    %get3A_1070 = arith.constant 26 : i32
    %get3A_1071 = arith.index_cast %get3A_1070 : i32 to index
    %get3A_1072 = arith.constant 32 : index
    %get3A_1073 = tpu.vector_load %arg7[%get3A_1071, %get3A_1072] {strides = array<i32>} : memref<32x64xf32, #tpu.memory_space<vmem>>, vector<1x16xf32>,
    %get3A_1074 = vector.shape_cast %get3A_1073 : vector<1x16xf32> to vector<16xf32>
    %get3A_1075 = arith.constant 26 : i32
    %get3A_1076 = arith.index_cast %get3A_1075 : i32 to index
    %get3A_1077 = arith.constant 48 : index
    %get3A_1078 = tpu.vector_load %arg7[%get3A_1076, %get3A_1077] {strides = array<i32>} : memref<32x64xf32, #tpu.memory_space<vmem>>, vector<1x16xf32>,
    %get3A_1079 = vector.shape_cast %get3A_1078 : vector<1x16xf32> to vector<16xf32>
    %add3A_1080 = arith.constant 26 : i32
    %add3A_1081 = arith.addi %mul3A_32, %add3A_1080 : i32
    %dma_start3A_1082 = arith.constant 0 : i32
    %dma_start3A_1083 = arith.constant 0 : i32
    %dma_start3A_1084 = tpu.memref_slice %arg4[%select_n3A, %add3A_1081, %dma_start3A_1082, %dma_start3A_1083] : memref<4x256x256x128xf32, #tpu.memory_space<hbm>> -> memref<1x1x256x128xf32, #tpu.memory_space<hbm>>
    %dma_start3A_1085 = tpu.memref_squeeze %dma_start3A_1084 : memref<1x1x256x128xf32, #tpu.memory_space<hbm>> -> memref<256x128xf32, #tpu.memory_space<hbm>>
    %dma_start3A_1086 = arith.constant 0 : i32
    %dma_start3A_1087 = arith.constant 0 : i32
    %dma_start3A_1088 = tpu.memref_slice %arg4[%select_n3A, %add3A_1081, %dma_start3A_1086, %dma_start3A_1087] : memref<4x256x256x128xf32, #tpu.memory_space<hbm>> -> memref<1x1x256x128xf32, #tpu.memory_space<hbm>>
    %dma_start3A_1089 = tpu.memref_squeeze %dma_start3A_1088 : memref<1x1x256x128xf32, #tpu.memory_space<hbm>> -> memref<256x128xf32, #tpu.memory_space<hbm>>
    tpu.enqueue_dma source(%arg5 : memref<256x128xf32, #tpu.memory_space<vmem>>) target(%dma_start3A_1089 : memref<256x128xf32, #tpu.memory_space<hbm>>) target_semaphore(%arg9 : memref<!tpu.dma_semaphore, #tpu.memory_space<semaphore_mem>>)
    %add3A_1090 = arith.constant 25 : i32
    %add3A_1091 = arith.addi %mul3A_32, %add3A_1090 : i32
    %dma_wait3A_1092 = arith.constant 0 : i32
    %dma_wait3A_1093 = arith.constant 0 : i32
    %dma_wait3A_1094 = tpu.memref_slice %arg4[%select_n3A, %add3A_1091, %dma_wait3A_1092, %dma_wait3A_1093] : memref<4x256x256x128xf32, #tpu.memory_space<hbm>> -> memref<1x1x256x128xf32, #tpu.memory_space<hbm>>
    %dma_wait3A_1095 = tpu.memref_squeeze %dma_wait3A_1094 : memref<1x1x256x128xf32, #tpu.memory_space<hbm>> -> memref<256x128xf32, #tpu.memory_space<hbm>>
    %dma_wait3A_1096 = arith.constant 0 : i32
    %dma_wait3A_1097 = arith.constant 0 : i32
    %dma_wait3A_1098 = tpu.memref_slice %arg4[%select_n3A, %add3A_1091, %dma_wait3A_1096, %dma_wait3A_1097] : memref<4x256x256x128xf32, #tpu.memory_space<hbm>> -> memref<1x1x256x128xf32, #tpu.memory_space<hbm>>
    %dma_wait3A_1099 = tpu.memref_squeeze %dma_wait3A_1098 : memref<1x1x256x128xf32, #tpu.memory_space<hbm>> -> memref<256x128xf32, #tpu.memory_space<hbm>>
    tpu.wait_dma2 semaphore(%arg10 : memref<!tpu.dma_semaphore, #tpu.memory_space<semaphore_mem>>) src(%arg6 : memref<256x128xf32, #tpu.memory_space<vmem>>) dst(%dma_wait3A_1099 : memref<256x128xf32, #tpu.memory_space<hbm>>)
    %get3A_1100 = arith.constant 27 : i32
    %get3A_1101 = arith.index_cast %get3A_1100 : i32 to index
    %get3A_1102 = arith.constant 0 : index
    %get3A_1103 = tpu.vector_load %arg7[%get3A_1101, %get3A_1102] {strides = array<i32>} : memref<32x64xf32, #tpu.memory_space<vmem>>, vector<1x16xf32>,
    %get3A_1104 = vector.shape_cast %get3A_1103 : vector<1x16xf32> to vector<16xf32>
    %get3A_1105 = arith.constant 27 : i32
    %get3A_1106 = arith.index_cast %get3A_1105 : i32 to index
    %get3A_1107 = arith.constant 16 : index
    %get3A_1108 = tpu.vector_load %arg7[%get3A_1106, %get3A_1107] {strides = array<i32>} : memref<32x64xf32, #tpu.memory_space<vmem>>, vector<1x16xf32>,
    %get3A_1109 = vector.shape_cast %get3A_1108 : vector<1x16xf32> to vector<16xf32>
    %get3A_1110 = arith.constant 27 : i32
    %get3A_1111 = arith.index_cast %get3A_1110 : i32 to index
    %get3A_1112 = arith.constant 32 : index
    %get3A_1113 = tpu.vector_load %arg7[%get3A_1111, %get3A_1112] {strides = array<i32>} : memref<32x64xf32, #tpu.memory_space<vmem>>, vector<1x16xf32>,
    %get3A_1114 = vector.shape_cast %get3A_1113 : vector<1x16xf32> to vector<16xf32>
    %get3A_1115 = arith.constant 27 : i32
    %get3A_1116 = arith.index_cast %get3A_1115 : i32 to index
    %get3A_1117 = arith.constant 48 : index
    %get3A_1118 = tpu.vector_load %arg7[%get3A_1116, %get3A_1117] {strides = array<i32>} : memref<32x64xf32, #tpu.memory_space<vmem>>, vector<1x16xf32>,
    %get3A_1119 = vector.shape_cast %get3A_1118 : vector<1x16xf32> to vector<16xf32>
    %add3A_1120 = arith.constant 27 : i32
    %add3A_1121 = arith.addi %mul3A_32, %add3A_1120 : i32
    %dma_start3A_1122 = arith.constant 0 : i32
    %dma_start3A_1123 = arith.constant 0 : i32
    %dma_start3A_1124 = tpu.memref_slice %arg4[%select_n3A, %add3A_1121, %dma_start3A_1122, %dma_start3A_1123] : memref<4x256x256x128xf32, #tpu.memory_space<hbm>> -> memref<1x1x256x128xf32, #tpu.memory_space<hbm>>
    %dma_start3A_1125 = tpu.memref_squeeze %dma_start3A_1124 : memref<1x1x256x128xf32, #tpu.memory_space<hbm>> -> memref<256x128xf32, #tpu.memory_space<hbm>>
    %dma_start3A_1126 = arith.constant 0 : i32
    %dma_start3A_1127 = arith.constant 0 : i32
    %dma_start3A_1128 = tpu.memref_slice %arg4[%select_n3A, %add3A_1121, %dma_start3A_1126, %dma_start3A_1127] : memref<4x256x256x128xf32, #tpu.memory_space<hbm>> -> memref<1x1x256x128xf32, #tpu.memory_space<hbm>>
    %dma_start3A_1129 = tpu.memref_squeeze %dma_start3A_1128 : memref<1x1x256x128xf32, #tpu.memory_space<hbm>> -> memref<256x128xf32, #tpu.memory_space<hbm>>
    tpu.enqueue_dma source(%arg6 : memref<256x128xf32, #tpu.memory_space<vmem>>) target(%dma_start3A_1129 : memref<256x128xf32, #tpu.memory_space<hbm>>) target_semaphore(%arg10 : memref<!tpu.dma_semaphore, #tpu.memory_space<semaphore_mem>>)
    %add3A_1130 = arith.constant 26 : i32
    %add3A_1131 = arith.addi %mul3A_32, %add3A_1130 : i32
    %dma_wait3A_1132 = arith.constant 0 : i32
    %dma_wait3A_1133 = arith.constant 0 : i32
    %dma_wait3A_1134 = tpu.memref_slice %arg4[%select_n3A, %add3A_1131, %dma_wait3A_1132, %dma_wait3A_1133] : memref<4x256x256x128xf32, #tpu.memory_space<hbm>> -> memref<1x1x256x128xf32, #tpu.memory_space<hbm>>
    %dma_wait3A_1135 = tpu.memref_squeeze %dma_wait3A_1134 : memref<1x1x256x128xf32, #tpu.memory_space<hbm>> -> memref<256x128xf32, #tpu.memory_space<hbm>>
    %dma_wait3A_1136 = arith.constant 0 : i32
    %dma_wait3A_1137 = arith.constant 0 : i32
    %dma_wait3A_1138 = tpu.memref_slice %arg4[%select_n3A, %add3A_1131, %dma_wait3A_1136, %dma_wait3A_1137] : memref<4x256x256x128xf32, #tpu.memory_space<hbm>> -> memref<1x1x256x128xf32, #tpu.memory_space<hbm>>
    %dma_wait3A_1139 = tpu.memref_squeeze %dma_wait3A_1138 : memref<1x1x256x128xf32, #tpu.memory_space<hbm>> -> memref<256x128xf32, #tpu.memory_space<hbm>>
    tpu.wait_dma2 semaphore(%arg9 : memref<!tpu.dma_semaphore, #tpu.memory_space<semaphore_mem>>) src(%arg5 : memref<256x128xf32, #tpu.memory_space<vmem>>) dst(%dma_wait3A_1139 : memref<256x128xf32, #tpu.memory_space<hbm>>)
    %get3A_1140 = arith.constant 28 : i32
    %get3A_1141 = arith.index_cast %get3A_1140 : i32 to index
    %get3A_1142 = arith.constant 0 : index
    %get3A_1143 = tpu.vector_load %arg7[%get3A_1141, %get3A_1142] {strides = array<i32>} : memref<32x64xf32, #tpu.memory_space<vmem>>, vector<1x16xf32>,
    %get3A_1144 = vector.shape_cast %get3A_1143 : vector<1x16xf32> to vector<16xf32>
    %get3A_1145 = arith.constant 28 : i32
    %get3A_1146 = arith.index_cast %get3A_1145 : i32 to index
    %get3A_1147 = arith.constant 16 : index
    %get3A_1148 = tpu.vector_load %arg7[%get3A_1146, %get3A_1147] {strides = array<i32>} : memref<32x64xf32, #tpu.memory_space<vmem>>, vector<1x16xf32>,
    %get3A_1149 = vector.shape_cast %get3A_1148 : vector<1x16xf32> to vector<16xf32>
    %get3A_1150 = arith.constant 28 : i32
    %get3A_1151 = arith.index_cast %get3A_1150 : i32 to index
    %get3A_1152 = arith.constant 32 : index
    %get3A_1153 = tpu.vector_load %arg7[%get3A_1151, %get3A_1152] {strides = array<i32>} : memref<32x64xf32, #tpu.memory_space<vmem>>, vector<1x16xf32>,
    %get3A_1154 = vector.shape_cast %get3A_1153 : vector<1x16xf32> to vector<16xf32>
    %get3A_1155 = arith.constant 28 : i32
    %get3A_1156 = arith.index_cast %get3A_1155 : i32 to index
    %get3A_1157 = arith.constant 48 : index
    %get3A_1158 = tpu.vector_load %arg7[%get3A_1156, %get3A_1157] {strides = array<i32>} : memref<32x64xf32, #tpu.memory_space<vmem>>, vector<1x16xf32>,
    %get3A_1159 = vector.shape_cast %get3A_1158 : vector<1x16xf32> to vector<16xf32>
    %add3A_1160 = arith.constant 28 : i32
    %add3A_1161 = arith.addi %mul3A_32, %add3A_1160 : i32
    %dma_start3A_1162 = arith.constant 0 : i32
    %dma_start3A_1163 = arith.constant 0 : i32
    %dma_start3A_1164 = tpu.memref_slice %arg4[%select_n3A, %add3A_1161, %dma_start3A_1162, %dma_start3A_1163] : memref<4x256x256x128xf32, #tpu.memory_space<hbm>> -> memref<1x1x256x128xf32, #tpu.memory_space<hbm>>
    %dma_start3A_1165 = tpu.memref_squeeze %dma_start3A_1164 : memref<1x1x256x128xf32, #tpu.memory_space<hbm>> -> memref<256x128xf32, #tpu.memory_space<hbm>>
    %dma_start3A_1166 = arith.constant 0 : i32
    %dma_start3A_1167 = arith.constant 0 : i32
    %dma_start3A_1168 = tpu.memref_slice %arg4[%select_n3A, %add3A_1161, %dma_start3A_1166, %dma_start3A_1167] : memref<4x256x256x128xf32, #tpu.memory_space<hbm>> -> memref<1x1x256x128xf32, #tpu.memory_space<hbm>>
    %dma_start3A_1169 = tpu.memref_squeeze %dma_start3A_1168 : memref<1x1x256x128xf32, #tpu.memory_space<hbm>> -> memref<256x128xf32, #tpu.memory_space<hbm>>
    tpu.enqueue_dma source(%arg5 : memref<256x128xf32, #tpu.memory_space<vmem>>) target(%dma_start3A_1169 : memref<256x128xf32, #tpu.memory_space<hbm>>) target_semaphore(%arg9 : memref<!tpu.dma_semaphore, #tpu.memory_space<semaphore_mem>>)
    %add3A_1170 = arith.constant 27 : i32
    %add3A_1171 = arith.addi %mul3A_32, %add3A_1170 : i32
    %dma_wait3A_1172 = arith.constant 0 : i32
    %dma_wait3A_1173 = arith.constant 0 : i32
    %dma_wait3A_1174 = tpu.memref_slice %arg4[%select_n3A, %add3A_1171, %dma_wait3A_1172, %dma_wait3A_1173] : memref<4x256x256x128xf32, #tpu.memory_space<hbm>> -> memref<1x1x256x128xf32, #tpu.memory_space<hbm>>
    %dma_wait3A_1175 = tpu.memref_squeeze %dma_wait3A_1174 : memref<1x1x256x128xf32, #tpu.memory_space<hbm>> -> memref<256x128xf32, #tpu.memory_space<hbm>>
    %dma_wait3A_1176 = arith.constant 0 : i32
    %dma_wait3A_1177 = arith.constant 0 : i32
    %dma_wait3A_1178 = tpu.memref_slice %arg4[%select_n3A, %add3A_1171, %dma_wait3A_1176, %dma_wait3A_1177] : memref<4x256x256x128xf32, #tpu.memory_space<hbm>> -> memref<1x1x256x128xf32, #tpu.memory_space<hbm>>
    %dma_wait3A_1179 = tpu.memref_squeeze %dma_wait3A_1178 : memref<1x1x256x128xf32, #tpu.memory_space<hbm>> -> memref<256x128xf32, #tpu.memory_space<hbm>>
    tpu.wait_dma2 semaphore(%arg10 : memref<!tpu.dma_semaphore, #tpu.memory_space<semaphore_mem>>) src(%arg6 : memref<256x128xf32, #tpu.memory_space<vmem>>) dst(%dma_wait3A_1179 : memref<256x128xf32, #tpu.memory_space<hbm>>)
    %get3A_1180 = arith.constant 29 : i32
    %get3A_1181 = arith.index_cast %get3A_1180 : i32 to index
    %get3A_1182 = arith.constant 0 : index
    %get3A_1183 = tpu.vector_load %arg7[%get3A_1181, %get3A_1182] {strides = array<i32>} : memref<32x64xf32, #tpu.memory_space<vmem>>, vector<1x16xf32>,
    %get3A_1184 = vector.shape_cast %get3A_1183 : vector<1x16xf32> to vector<16xf32>
    %get3A_1185 = arith.constant 29 : i32
    %get3A_1186 = arith.index_cast %get3A_1185 : i32 to index
    %get3A_1187 = arith.constant 16 : index
    %get3A_1188 = tpu.vector_load %arg7[%get3A_1186, %get3A_1187] {strides = array<i32>} : memref<32x64xf32, #tpu.memory_space<vmem>>, vector<1x16xf32>,
    %get3A_1189 = vector.shape_cast %get3A_1188 : vector<1x16xf32> to vector<16xf32>
    %get3A_1190 = arith.constant 29 : i32
    %get3A_1191 = arith.index_cast %get3A_1190 : i32 to index
    %get3A_1192 = arith.constant 32 : index
    %get3A_1193 = tpu.vector_load %arg7[%get3A_1191, %get3A_1192] {strides = array<i32>} : memref<32x64xf32, #tpu.memory_space<vmem>>, vector<1x16xf32>,
    %get3A_1194 = vector.shape_cast %get3A_1193 : vector<1x16xf32> to vector<16xf32>
    %get3A_1195 = arith.constant 29 : i32
    %get3A_1196 = arith.index_cast %get3A_1195 : i32 to index
    %get3A_1197 = arith.constant 48 : index
    %get3A_1198 = tpu.vector_load %arg7[%get3A_1196, %get3A_1197] {strides = array<i32>} : memref<32x64xf32, #tpu.memory_space<vmem>>, vector<1x16xf32>,
    %get3A_1199 = vector.shape_cast %get3A_1198 : vector<1x16xf32> to vector<16xf32>
    %add3A_1200 = arith.constant 29 : i32
    %add3A_1201 = arith.addi %mul3A_32, %add3A_1200 : i32
    %dma_start3A_1202 = arith.constant 0 : i32
    %dma_start3A_1203 = arith.constant 0 : i32
    %dma_start3A_1204 = tpu.memref_slice %arg4[%select_n3A, %add3A_1201, %dma_start3A_1202, %dma_start3A_1203] : memref<4x256x256x128xf32, #tpu.memory_space<hbm>> -> memref<1x1x256x128xf32, #tpu.memory_space<hbm>>
    %dma_start3A_1205 = tpu.memref_squeeze %dma_start3A_1204 : memref<1x1x256x128xf32, #tpu.memory_space<hbm>> -> memref<256x128xf32, #tpu.memory_space<hbm>>
    %dma_start3A_1206 = arith.constant 0 : i32
    %dma_start3A_1207 = arith.constant 0 : i32
    %dma_start3A_1208 = tpu.memref_slice %arg4[%select_n3A, %add3A_1201, %dma_start3A_1206, %dma_start3A_1207] : memref<4x256x256x128xf32, #tpu.memory_space<hbm>> -> memref<1x1x256x128xf32, #tpu.memory_space<hbm>>
    %dma_start3A_1209 = tpu.memref_squeeze %dma_start3A_1208 : memref<1x1x256x128xf32, #tpu.memory_space<hbm>> -> memref<256x128xf32, #tpu.memory_space<hbm>>
    tpu.enqueue_dma source(%arg6 : memref<256x128xf32, #tpu.memory_space<vmem>>) target(%dma_start3A_1209 : memref<256x128xf32, #tpu.memory_space<hbm>>) target_semaphore(%arg10 : memref<!tpu.dma_semaphore, #tpu.memory_space<semaphore_mem>>)
    %add3A_1210 = arith.constant 28 : i32
    %add3A_1211 = arith.addi %mul3A_32, %add3A_1210 : i32
    %dma_wait3A_1212 = arith.constant 0 : i32
    %dma_wait3A_1213 = arith.constant 0 : i32
    %dma_wait3A_1214 = tpu.memref_slice %arg4[%select_n3A, %add3A_1211, %dma_wait3A_1212, %dma_wait3A_1213] : memref<4x256x256x128xf32, #tpu.memory_space<hbm>> -> memref<1x1x256x128xf32, #tpu.memory_space<hbm>>
    %dma_wait3A_1215 = tpu.memref_squeeze %dma_wait3A_1214 : memref<1x1x256x128xf32, #tpu.memory_space<hbm>> -> memref<256x128xf32, #tpu.memory_space<hbm>>
    %dma_wait3A_1216 = arith.constant 0 : i32
    %dma_wait3A_1217 = arith.constant 0 : i32
    %dma_wait3A_1218 = tpu.memref_slice %arg4[%select_n3A, %add3A_1211, %dma_wait3A_1216, %dma_wait3A_1217] : memref<4x256x256x128xf32, #tpu.memory_space<hbm>> -> memref<1x1x256x128xf32, #tpu.memory_space<hbm>>
    %dma_wait3A_1219 = tpu.memref_squeeze %dma_wait3A_1218 : memref<1x1x256x128xf32, #tpu.memory_space<hbm>> -> memref<256x128xf32, #tpu.memory_space<hbm>>
    tpu.wait_dma2 semaphore(%arg9 : memref<!tpu.dma_semaphore, #tpu.memory_space<semaphore_mem>>) src(%arg5 : memref<256x128xf32, #tpu.memory_space<vmem>>) dst(%dma_wait3A_1219 : memref<256x128xf32, #tpu.memory_space<hbm>>)
    %get3A_1220 = arith.constant 30 : i32
    %get3A_1221 = arith.index_cast %get3A_1220 : i32 to index
    %get3A_1222 = arith.constant 0 : index
    %get3A_1223 = tpu.vector_load %arg7[%get3A_1221, %get3A_1222] {strides = array<i32>} : memref<32x64xf32, #tpu.memory_space<vmem>>, vector<1x16xf32>,
    %get3A_1224 = vector.shape_cast %get3A_1223 : vector<1x16xf32> to vector<16xf32>
    %get3A_1225 = arith.constant 30 : i32
    %get3A_1226 = arith.index_cast %get3A_1225 : i32 to index
    %get3A_1227 = arith.constant 16 : index
    %get3A_1228 = tpu.vector_load %arg7[%get3A_1226, %get3A_1227] {strides = array<i32>} : memref<32x64xf32, #tpu.memory_space<vmem>>, vector<1x16xf32>,
    %get3A_1229 = vector.shape_cast %get3A_1228 : vector<1x16xf32> to vector<16xf32>
    %get3A_1230 = arith.constant 30 : i32
    %get3A_1231 = arith.index_cast %get3A_1230 : i32 to index
    %get3A_1232 = arith.constant 32 : index
    %get3A_1233 = tpu.vector_load %arg7[%get3A_1231, %get3A_1232] {strides = array<i32>} : memref<32x64xf32, #tpu.memory_space<vmem>>, vector<1x16xf32>,
    %get3A_1234 = vector.shape_cast %get3A_1233 : vector<1x16xf32> to vector<16xf32>
    %get3A_1235 = arith.constant 30 : i32
    %get3A_1236 = arith.index_cast %get3A_1235 : i32 to index
    %get3A_1237 = arith.constant 48 : index
    %get3A_1238 = tpu.vector_load %arg7[%get3A_1236, %get3A_1237] {strides = array<i32>} : memref<32x64xf32, #tpu.memory_space<vmem>>, vector<1x16xf32>,
    %get3A_1239 = vector.shape_cast %get3A_1238 : vector<1x16xf32> to vector<16xf32>
    %add3A_1240 = arith.constant 30 : i32
    %add3A_1241 = arith.addi %mul3A_32, %add3A_1240 : i32
    %dma_start3A_1242 = arith.constant 0 : i32
    %dma_start3A_1243 = arith.constant 0 : i32
    %dma_start3A_1244 = tpu.memref_slice %arg4[%select_n3A, %add3A_1241, %dma_start3A_1242, %dma_start3A_1243] : memref<4x256x256x128xf32, #tpu.memory_space<hbm>> -> memref<1x1x256x128xf32, #tpu.memory_space<hbm>>
    %dma_start3A_1245 = tpu.memref_squeeze %dma_start3A_1244 : memref<1x1x256x128xf32, #tpu.memory_space<hbm>> -> memref<256x128xf32, #tpu.memory_space<hbm>>
    %dma_start3A_1246 = arith.constant 0 : i32
    %dma_start3A_1247 = arith.constant 0 : i32
    %dma_start3A_1248 = tpu.memref_slice %arg4[%select_n3A, %add3A_1241, %dma_start3A_1246, %dma_start3A_1247] : memref<4x256x256x128xf32, #tpu.memory_space<hbm>> -> memref<1x1x256x128xf32, #tpu.memory_space<hbm>>
    %dma_start3A_1249 = tpu.memref_squeeze %dma_start3A_1248 : memref<1x1x256x128xf32, #tpu.memory_space<hbm>> -> memref<256x128xf32, #tpu.memory_space<hbm>>
    tpu.enqueue_dma source(%arg5 : memref<256x128xf32, #tpu.memory_space<vmem>>) target(%dma_start3A_1249 : memref<256x128xf32, #tpu.memory_space<hbm>>) target_semaphore(%arg9 : memref<!tpu.dma_semaphore, #tpu.memory_space<semaphore_mem>>)
    %add3A_1250 = arith.constant 29 : i32
    %add3A_1251 = arith.addi %mul3A_32, %add3A_1250 : i32
    %dma_wait3A_1252 = arith.constant 0 : i32
    %dma_wait3A_1253 = arith.constant 0 : i32
    %dma_wait3A_1254 = tpu.memref_slice %arg4[%select_n3A, %add3A_1251, %dma_wait3A_1252, %dma_wait3A_1253] : memref<4x256x256x128xf32, #tpu.memory_space<hbm>> -> memref<1x1x256x128xf32, #tpu.memory_space<hbm>>
    %dma_wait3A_1255 = tpu.memref_squeeze %dma_wait3A_1254 : memref<1x1x256x128xf32, #tpu.memory_space<hbm>> -> memref<256x128xf32, #tpu.memory_space<hbm>>
    %dma_wait3A_1256 = arith.constant 0 : i32
    %dma_wait3A_1257 = arith.constant 0 : i32
    %dma_wait3A_1258 = tpu.memref_slice %arg4[%select_n3A, %add3A_1251, %dma_wait3A_1256, %dma_wait3A_1257] : memref<4x256x256x128xf32, #tpu.memory_space<hbm>> -> memref<1x1x256x128xf32, #tpu.memory_space<hbm>>
    %dma_wait3A_1259 = tpu.memref_squeeze %dma_wait3A_1258 : memref<1x1x256x128xf32, #tpu.memory_space<hbm>> -> memref<256x128xf32, #tpu.memory_space<hbm>>
    tpu.wait_dma2 semaphore(%arg10 : memref<!tpu.dma_semaphore, #tpu.memory_space<semaphore_mem>>) src(%arg6 : memref<256x128xf32, #tpu.memory_space<vmem>>) dst(%dma_wait3A_1259 : memref<256x128xf32, #tpu.memory_space<hbm>>)
    %get3A_1260 = arith.constant 31 : i32
    %get3A_1261 = arith.index_cast %get3A_1260 : i32 to index
    %get3A_1262 = arith.constant 0 : index
    %get3A_1263 = tpu.vector_load %arg7[%get3A_1261, %get3A_1262] {strides = array<i32>} : memref<32x64xf32, #tpu.memory_space<vmem>>, vector<1x16xf32>,
    %get3A_1264 = vector.shape_cast %get3A_1263 : vector<1x16xf32> to vector<16xf32>
    %get3A_1265 = arith.constant 31 : i32
    %get3A_1266 = arith.index_cast %get3A_1265 : i32 to index
    %get3A_1267 = arith.constant 16 : index
    %get3A_1268 = tpu.vector_load %arg7[%get3A_1266, %get3A_1267] {strides = array<i32>} : memref<32x64xf32, #tpu.memory_space<vmem>>, vector<1x16xf32>,
    %get3A_1269 = vector.shape_cast %get3A_1268 : vector<1x16xf32> to vector<16xf32>
    %get3A_1270 = arith.constant 31 : i32
    %get3A_1271 = arith.index_cast %get3A_1270 : i32 to index
    %get3A_1272 = arith.constant 32 : index
    %get3A_1273 = tpu.vector_load %arg7[%get3A_1271, %get3A_1272] {strides = array<i32>} : memref<32x64xf32, #tpu.memory_space<vmem>>, vector<1x16xf32>,
    %get3A_1274 = vector.shape_cast %get3A_1273 : vector<1x16xf32> to vector<16xf32>
    %get3A_1275 = arith.constant 31 : i32
    %get3A_1276 = arith.index_cast %get3A_1275 : i32 to index
    %get3A_1277 = arith.constant 48 : index
    %get3A_1278 = tpu.vector_load %arg7[%get3A_1276, %get3A_1277] {strides = array<i32>} : memref<32x64xf32, #tpu.memory_space<vmem>>, vector<1x16xf32>,
    %get3A_1279 = vector.shape_cast %get3A_1278 : vector<1x16xf32> to vector<16xf32>
    %add3A_1280 = arith.constant 31 : i32
    %add3A_1281 = arith.addi %mul3A_32, %add3A_1280 : i32
    %dma_start3A_1282 = arith.constant 0 : i32
    %dma_start3A_1283 = arith.constant 0 : i32
    %dma_start3A_1284 = tpu.memref_slice %arg4[%select_n3A, %add3A_1281, %dma_start3A_1282, %dma_start3A_1283] : memref<4x256x256x128xf32, #tpu.memory_space<hbm>> -> memref<1x1x256x128xf32, #tpu.memory_space<hbm>>
    %dma_start3A_1285 = tpu.memref_squeeze %dma_start3A_1284 : memref<1x1x256x128xf32, #tpu.memory_space<hbm>> -> memref<256x128xf32, #tpu.memory_space<hbm>>
    %dma_start3A_1286 = arith.constant 0 : i32
    %dma_start3A_1287 = arith.constant 0 : i32
    %dma_start3A_1288 = tpu.memref_slice %arg4[%select_n3A, %add3A_1281, %dma_start3A_1286, %dma_start3A_1287] : memref<4x256x256x128xf32, #tpu.memory_space<hbm>> -> memref<1x1x256x128xf32, #tpu.memory_space<hbm>>
    %dma_start3A_1289 = tpu.memref_squeeze %dma_start3A_1288 : memref<1x1x256x128xf32, #tpu.memory_space<hbm>> -> memref<256x128xf32, #tpu.memory_space<hbm>>
    tpu.enqueue_dma source(%arg6 : memref<256x128xf32, #tpu.memory_space<vmem>>) target(%dma_start3A_1289 : memref<256x128xf32, #tpu.memory_space<hbm>>) target_semaphore(%arg10 : memref<!tpu.dma_semaphore, #tpu.memory_space<semaphore_mem>>)
    %add3A_1290 = arith.constant 30 : i32
    %add3A_1291 = arith.addi %mul3A_32, %add3A_1290 : i32
    %dma_wait3A_1292 = arith.constant 0 : i32
    %dma_wait3A_1293 = arith.constant 0 : i32
    %dma_wait3A_1294 = tpu.memref_slice %arg4[%select_n3A, %add3A_1291, %dma_wait3A_1292, %dma_wait3A_1293] : memref<4x256x256x128xf32, #tpu.memory_space<hbm>> -> memref<1x1x256x128xf32, #tpu.memory_space<hbm>>
    %dma_wait3A_1295 = tpu.memref_squeeze %dma_wait3A_1294 : memref<1x1x256x128xf32, #tpu.memory_space<hbm>> -> memref<256x128xf32, #tpu.memory_space<hbm>>
    %dma_wait3A_1296 = arith.constant 0 : i32
    %dma_wait3A_1297 = arith.constant 0 : i32
    %dma_wait3A_1298 = tpu.memref_slice %arg4[%select_n3A, %add3A_1291, %dma_wait3A_1296, %dma_wait3A_1297] : memref<4x256x256x128xf32, #tpu.memory_space<hbm>> -> memref<1x1x256x128xf32, #tpu.memory_space<hbm>>
    %dma_wait3A_1299 = tpu.memref_squeeze %dma_wait3A_1298 : memref<1x1x256x128xf32, #tpu.memory_space<hbm>> -> memref<256x128xf32, #tpu.memory_space<hbm>>
    tpu.wait_dma2 semaphore(%arg9 : memref<!tpu.dma_semaphore, #tpu.memory_space<semaphore_mem>>) src(%arg5 : memref<256x128xf32, #tpu.memory_space<vmem>>) dst(%dma_wait3A_1299 : memref<256x128xf32, #tpu.memory_space<hbm>>)
    %add3A_1300 = arith.constant 31 : i32
    %add3A_1301 = arith.addi %mul3A_32, %add3A_1300 : i32
    %dma_wait3A_1302 = arith.constant 0 : i32
    %dma_wait3A_1303 = arith.constant 0 : i32
    %dma_wait3A_1304 = tpu.memref_slice %arg4[%select_n3A, %add3A_1301, %dma_wait3A_1302, %dma_wait3A_1303] : memref<4x256x256x128xf32, #tpu.memory_space<hbm>> -> memref<1x1x256x128xf32, #tpu.memory_space<hbm>>
    %dma_wait3A_1305 = tpu.memref_squeeze %dma_wait3A_1304 : memref<1x1x256x128xf32, #tpu.memory_space<hbm>> -> memref<256x128xf32, #tpu.memory_space<hbm>>
    %dma_wait3A_1306 = arith.constant 0 : i32
    %dma_wait3A_1307 = arith.constant 0 : i32
    %dma_wait3A_1308 = tpu.memref_slice %arg4[%select_n3A, %add3A_1301, %dma_wait3A_1306, %dma_wait3A_1307] : memref<4x256x256x128xf32, #tpu.memory_space<hbm>> -> memref<1x1x256x128xf32, #tpu.memory_space<hbm>>
    %dma_wait3A_1309 = tpu.memref_squeeze %dma_wait3A_1308 : memref<1x1x256x128xf32, #tpu.memory_space<hbm>> -> memref<256x128xf32, #tpu.memory_space<hbm>>
    tpu.wait_dma2 semaphore(%arg10 : memref<!tpu.dma_semaphore, #tpu.memory_space<semaphore_mem>>) src(%arg6 : memref<256x128xf32, #tpu.memory_space<vmem>>) dst(%dma_wait3A_1309 : memref<256x128xf32, #tpu.memory_space<hbm>>)
    return
  }
}

</mosaic_0001>

<sc_bundles>
// kernel: kernel.3.cloned.1.call-start
scs
__scs_entry_jumppad:
0x0: {  	(pc) =	sbr.rel $0x88, $3  }
0x1: {  	(tag) =	ssettag $0x0;
	lr =	simm.s32 $0x1  }
0x2: {  	[smem:$0x3F9F] =	sst lr;
	_ =	strace $0xD0000000  }
0x3: {  	_ = 	snop  }
0x4: {  	_ = 	snop  }
0x5: {  	_ = 	snop  }
0x6: {  	_ = 	snop  }
0x7: {  	_ = 	snop  }
__scs_overlays_trampoline_lowered:
0x8: {  	[smem:$0x3FAE] =	sst s0  }
0x9: {  	[smem:$0x3FAF] =	sst s1  }
0xa: {  	[smem:$0x3FB0] =	sst s2  }
0xb: {  	[smem:$0x3FB1] =	sst s3  }
0xc: {  	[smem:$0x3FB2] =	sst s4  }
0xd: {  	[smem:$0x3FB3] =	sst s5  }
0xe: {  	[smem:$0x3FB4] =	sst s6  }
0xf: {  	[smem:$0x3FB5] =	sst s7  }
0x10: {  	[smem:$0x3FB6] =	sst s8  }
0x11: {  	[smem:$0x3FB7] =	sst s9;
	s0 =	simm.s32 @!p0 $0x0  }
0x12: {  	s1 =	sld [smem:$0x3F9D];
	s0 =	simm.s32 @p0 $0x1  }
0x13: {  	[smem:$0x3FB8] =	sst s0;
	s0 =	simm.s32 @!p1 $0x0  }
0x14: {  	s2 =	sld [smem:$0x3F9C];
	s0 =	simm.s32 @p1 $0x1  }
0x15: {  	[smem:$0x3FB9] =	sst s0;
	s0 =	simm.s32 @!p2 $0x0  }
0x16: {  	s3 =	sld [smem:$0x3FDB];
	s0 =	simm.s32 @p2 $0x1  }
0x17: {  	s4 =	simm.s32 $0x1BF5;
	[smem:$0x3FBB] =	sst s0  }
0x18: {  	s0 =	sld [smem:$0x3F9E];
	_ =	swait.ge [sflag:s4], $0x0  }
0x19: {  	s7 =	sld [smem:$0x3F9F]  }
0x1a: {  	s8 =	sadd.s32 $0xFFFFE003, lr  }
0x1b: {  	s9 =	sadd.s32 $0xFFFFFEF7, lr;
	s5 =	simm.s32 $0xFFFFFFFF;
	p2 =	slt.u32 s8, $0xFFFFF086  }
0x1c: {  	p1 =	slt.u32 s9, $0xF7A;
	s5 =	simm.s32 @!p2 $0x0  }
0x1d: {  	s5 =	simm.s32 @p1 $0x1;
	p0 =	seq.s32 s7, s2  }
0x1e: {  	s7 =	smul.u32 @!p0 $0xF7A, s2;
	p2 =	seq.s32 @!p0 s5, $0x0  }
0x1f: {  	s9 =	smul.u32 $0xF7A, s1;
	s8 =	simm.s32 @!p0 $0x1BF5;
	p2 =	por !p2, p0  }
0x20: {  	[sflag:s8] =	ssyncset.s32 @!p0 $0xFFFFF086;
	s6 =	sadd.s32 @!p0 s3, s7;
	s7 =	simm.s32 @!p0 $0x108  }
0x21: {  	s3 =	sadd.s32 s3, s9;
	s6 =	sadd.s32 @!p0 $0x88, s6;
	s7 =	simm.s32 @p2 $0x1082  }
0x22: {  	[simem:s7], [sflag:s8] =	dma.local @!p0 [hbm:s6], $0xF7A  }
0x23: {  	s9 =	sor.u32 $0xD0000000, s2;
	s6 =	simm.s32 $0x108;
	_ =	swait.ge @!p0 [sflag:s8], $0x0  }
0x24: {  	s3 =	sadd.s32 $0x88, s3;
	s6 =	simm.s32 @!p1 $0x1082;
	[sflag:s4] =	ssyncset.s32 $0xFFFFF086  }
0x25: {  	[simem:s6], [sflag:s4] =	dma.local [hbm:s3], $0xF7A  }
0x26: {  	[smem:$0x3F9F] =	sst s1;
	(tag) =	ssettag s2;
	_ =	strace s9  }
0x27: {  	s1 =	sld [smem:$0x3FAF]  }
0x28: {  	s2 =	sld [smem:$0x3FB0]  }
0x29: {  	s4 =	sld [smem:$0x3FB2]  }
0x2a: {  	p0 =	seq.s32 s5, $0x0;
	s5 =	sld [smem:$0x3FB3]  }
0x2b: {  	s6 =	sld [smem:$0x3FB4]  }
0x2c: {  	s7 =	sld [smem:$0x3FB5]  }
0x2d: {  	s3 =	simm.s32 $0x108;
	s8 =	sld [smem:$0x3FB6]  }
0x2e: {  	s3 =	simm.s32 @!p0 $0x1082;
	s9 =	sld [smem:$0x3FB7]  }
0x2f: {  	lr =	sadd.s32 s0, s3;
	s0 =	sld [smem:$0x3FAE]  }
0x30: {  	s3 =	sld [smem:$0x3FB1]  }
0x31: {  	[smem:$0x3FBA] =	sst s10  }
0x32: {  	s10 =	sld [smem:$0x3FB8];
	_ =	sdelay $0x3  }
0x33: {  	p0 =	seq.s32 s10, $0x1;
	s10 =	sld [smem:$0x3FBA];
	_ =	sdelay $0x3  }
0x34: {  	[smem:$0x3FBA] =	sst s10  }
0x35: {  	s10 =	sld [smem:$0x3FB9];
	_ =	sdelay $0x3  }
0x36: {  	p1 =	seq.s32 s10, $0x1;
	s10 =	sld [smem:$0x3FBA];
	_ =	sdelay $0x3  }
0x37: {  	[smem:$0x3FBA] =	sst s10  }
0x38: {  	s10 =	sld [smem:$0x3FBB]  }
0x39: {  	_ = 	snop;
	(pc) =	sbr.ind lr, $3  }
0x3a: {  	_ = 	snop  }
0x3b: {  	_ = 	snop  }
0x3c: {  	p2 =	seq.s32 s10, $0x1;
	s10 =	sld [smem:$0x3FBA]  }
0x3d: {  	_ =	shalt  }
0x3e: {  	_ =	shalt  }
0x3f: {  	_ =	shalt  }
0x40: {  	_ =	shalt  }
0x41: {  	_ =	shalt  }
0x42: {  	_ =	shalt  }
0x43: {  	_ =	shalt  }
0x44: {  	_ =	shalt  }
0x45: {  	_ =	shalt  }
0x46: {  	_ =	shalt  }
0x47: {  	_ =	shalt  }
0x48: {  	_ =	shalt  }
0x49: {  	_ =	shalt  }
0x4a: {  	_ =	shalt  }
0x4b: {  	_ =	shalt  }
0x4c: {  	_ =	shalt  }
0x4d: {  	_ =	shalt  }
0x4e: {  	_ =	shalt  }
0x4f: {  	_ =	shalt  }
0x50: {  	_ =	shalt  }
0x51: {  	_ =	shalt  }
0x52: {  	_ =	shalt  }
0x53: {  	_ =	shalt  }
0x54: {  	_ =	shalt  }
0x55: {  	_ =	shalt  }
0x56: {  	_ =	shalt  }
0x57: {  	_ =	shalt  }
0x58: {  	_ =	shalt  }
0x59: {  	_ =	shalt  }
0x5a: {  	_ =	shalt  }
0x5b: {  	_ =	shalt  }
0x5c: {  	_ =	shalt  }
0x5d: {  	_ =	shalt  }
0x5e: {  	_ =	shalt  }
0x5f: {  	_ =	shalt  }
0x60: {  	_ =	shalt  }
0x61: {  	_ =	shalt  }
0x62: {  	_ =	shalt  }
0x63: {  	_ =	shalt  }
0x64: {  	_ =	shalt  }
0x65: {  	_ =	shalt  }
0x66: {  	_ =	shalt  }
0x67: {  	_ =	shalt  }
0x68: {  	_ =	shalt  }
0x69: {  	_ =	shalt  }
0x6a: {  	_ =	shalt  }
0x6b: {  	_ =	shalt  }
0x6c: {  	_ =	shalt  }
0x6d: {  	_ =	shalt  }
0x6e: {  	_ =	shalt  }
0x6f: {  	_ =	shalt  }
0x70: {  	_ =	shalt  }
0x71: {  	_ =	shalt  }
0x72: {  	_ =	shalt  }
0x73: {  	_ =	shalt  }
0x74: {  	_ =	shalt  }
0x75: {  	_ =	shalt  }
0x76: {  	_ =	shalt  }
0x77: {  	_ =	shalt  }
0x78: {  	_ =	shalt  }
0x79: {  	_ =	shalt  }
0x7a: {  	_ =	shalt  }
0x7b: {  	_ =	shalt  }
0x7c: {  	_ =	shalt  }
0x7d: {  	_ =	shalt  }
0x7e: {  	_ =	shalt  }
0x7f: {  	_ =	shalt  }
0x80: {  	_ =	shalt  }
0x81: {  	_ =	shalt  }
0x82: {  	_ =	shalt  }
0x83: {  	_ =	shalt  }
0x84: {  	_ =	shalt  }
0x85: {  	_ =	shalt  }
0x86: {  	_ =	shalt  }
0x87: {  	_ =	shalt  }
.Lfunc_end0:
.L_simem_size_0:
called_computation_lowered:
.L_overlay_start_0:
0x88: {  	s2 =	sld [smem:$0x3FD9]  }
0x89: {  	s3 =	sld [smem:$0x3FFE];
	_ =	sdelay $0x1  }
0x8a: {  	s1 =	srdreg.scid  }
0x8b: {  	s0 =	sand.u32 $0x1, s1  }
0x8c: {  	s17 =	sshll.u32 s0, $0xA;
	s2 =	sadd.s32 s3, s2  }
0x8d: {  	s2 =	sadd.s32 s2, s17  }
0x8e: {  	[smem:$0x3FC6] =	sst s2  }
0x8f: {  	_ = 	snop  }
0x90: {  	s2 =	sld [smem:$0x3FD0];
	(tm) =	ssettm $0x1  }
0x91: {  	s18 =	sld [smem:$0x3FFB];
	_ =	sdelay $0x3  }
0x92: {  	_ =	strace s18  }
0x93: {  	s3 =	sld [smem:$0x3FFC];
	_ =	sdelay $0x3  }
0x94: {  	_ =	strace s3  }
0x95: {  	s3 =	sld [smem:$0x3FFD];
	_ =	sdelay $0x3  }
0x96: {  	_ =	strace s3  }
0x97: {  	_ =	strace $0x8FFFFFFF  }
0x98: {  	s19 =	sld [smem:$0x3FDB];
	_ =	sdelay $0x1  }
0x99: {  	s4 =	simm.s32 $_scs_section_size  }
0x9a: {  	s5 =	simm.s32 $_size__tile_overlayer_lowered;
	s6 =	simm.s32 $_tile_overlayer_lowered  }
0x9b: {  	s22 =	simm.s32 $0x1BFF;
	s21 =	sshll.u32 s6, $0x1;
	s3 =	sadd.s32 s4, s19  }
0x9c: {  	s7 =	simm.s32 $0x0;
	s20 =	sshll.u32 s5, $0x1;
	s5 =	sadd.s32 s21, s3  }
0x9d: {  	[timem:s7], [sflag:s22] =	dma.local [hbm:s5], s20  }
0x9e: {  	_ =	swait.ge [sflag:s22], s20  }
0x9f: {  	s4 =	ssub.s32 $0x0, s20;
	[sflag:s22] =	ssyncset.done $0x0  }
0xa0: {  	[sflag:s22] =	ssyncadd.s32 s4;
	_ =	sdelay $0x1  }
0xa1: {  	s23 =	simm.s32 $0x1B8B  }
0xa2: {  	_ =	swait.ge [sflag:s23], $0x1  }
0xa3: {  	[sflag:s23] =	ssyncset.done $0x0  }
0xa4: {  	s25 =	simm.s32 $0x1B8E;
	s24 =	sld [smem:$0x3FFE];
	[sflag:s23] =	ssyncadd.s32 $0xFFFFFFFF  }
0xa5: {  	s26 =	simm.s32 $execute0_lowered;
	[smem:$0x3FD2] =	sst s25  }
0xa6: {  	s5 =	sshll.u32 s26, $0x1;
	_ =	strace $0x80000046;
	[dreg:$0x1] =	wrdreg $0xFFFFFFFF  }
0xa7: {  	s28 =	simm.s32 $_size_execute0_lowered;
	s3 =	sadd.s32 s3, s5;
	[dreg:$0x0] =	wrdreg $0x0  }
0xa8: {  	s5 =	sshll.u32 s28, $0x1;
	[dreg:$0x2] =	wrdreg s3  }
0xa9: {  	[dreg:$0x3] =	wrdreg s5  }
0xaa: {  	[dreg:$0x4] =	wrdreg $0xC0  }
0xab: {  	_ =	task [dreg:s7], $0x5FFFF  }
0xac: {  	[dreg:$0x1] =	wrdreg $0xFFFFFFFF  }
0xad: {  	[dreg:$0x0] =	wrdreg $0x60  }
0xae: {  	[dreg:$0x2] =	wrdreg s24  }
0xaf: {  	[dreg:$0x3] =	wrdreg s2  }
0xb0: {  	[dreg:$0x4] =	wrdreg $0x9  }
0xb1: {  	_ =	task.clear_ibuf [dreg:s7], $0x5FFFF;
	_ =	strace $0x90000046  }
0xb2: {  	s29 =	simm.s32 $0x9;
	_ =	strace $0x80000048  }
0xb3: {  	_ =	swait.ge [sflag:s29], $0x1  }
0xb4: {  	[sflag:s29] =	ssyncadd.s32 $0xFFFFFFFF  }
0xb5: {  	_ =	strace $0x90000048  }
0xb6: {  	_ =	sfence  }
0xb7: {  	s30 =	sld [smem:$0x0];
	_ =	sdelay $0x2  }
0xb8: {  	s31 =	sshll.u32 s1, $0xD;
	s1 =	sshrl.u32 s1, $0x2  }
0xb9: {  	s3 =	sand.u32 $0x4000, s31;
	s1 =	sadd.s32 s1, s30  }
0xba: {  	s0 =	sor.u32 s3, s0;
	s1 =	sshll.u32 s1, $0x11  }
0xbb: {  	s0 =	sor.u32 s1, s0  }
0xbc: {  	s0 =	sadd.s32 $0x8F2B, s0  }
0xbd: {  	[sflag:s0] =	ssyncadd.remote.s32 $0x1  }
0xbe: {  	_ =	sfence.sel $0xFFFF  }
0xbf: {  	[dreg:$0x0] =	wrdreg $0xFFFFFFFF;
	(pc) =	sbr.abs _section_cstart, $3  }
0xc0: {  	[dreg:$0x1] =	wrdreg $0xFFFFFFFF  }
0xc1: {  	_ =	task.clear_ibuf [dreg:s7], $0x2FFFF;
	_ =	strace $0x9FFFFFFF  }
0xc2: {  	(tm) =	ssettm $0x7FFFFFFF  }
0xc3: {  	_ =	shalt  }
tec
execute0_lowered:
.L_overlay_start_1:
0x0: {  	(tag) =	ssettag $0x1  }
0x1: {  	s1 =	stileid.u32  }
0x2: {  	s3 =	rddreg [dreg:$0x0];
	s0 =	srdreg.scid;
	s2 =	sshll.u32 s1, $0x1  }
0x3: {  	s5 =	sshrl.u32 s1, $0x2;
	s0 =	sand.u32 $0x1, s0;
	s6 =	sand.u32 $0x6, s2  }
0x4: {  	s4 =	rddreg [dreg:$0x1];
	s7 =	sshll.u32 s5, $0xC;
	s6 =	sor.u32 s0, s6  }
0x5: {  	s2 =	simm.s32 $0x0;
	s3 =	sadd.s32 s7, s3;
	s1 =	sshll.u32 s6, $0x9  }
0x6: {  	s5 =	sshll.u32 s5, $0x14;
	[smem:$0x7FF] =	sst s2;
	s7 =	sadd.s32 s1, s3  }
0x7: {  	s6 =	sshll.u32 s6, $0x11;
	_ =	strace $0x80000047;
	s7 =	sadd.s32 $0x400, s7  }
0x8: {  	s5 =	sor.u32 s5, s6;
	[dreg:$0x3] =	wrdreg s7;
	s7 =	sadd.s32 $0x4400, s3  }
0x9: {  	s3 =	sadd.s32 s4, s5;
	[dreg:$0x4] =	wrdreg s7  }
0xa: {  	s4 =	sadd.s32 $0x1000, s3;
	s16 =	rddreg [dreg:$0x3]  }
0xb: {  	s8 =	sadd.s32 $0x2000, s3;
	[dreg:$0x5] =	wrdreg s4  }
0xc: {  	s9 =	sadd.s32 $0x3000, s3;
	[dreg:$0x6] =	wrdreg s8  }
0xd: {  	s10 =	sadd.s32 $0x4000, s3;
	[dreg:$0x7] =	wrdreg s9  }
0xe: {  	s11 =	sadd.s32 $0x5000, s3;
	[dreg:$0x8] =	wrdreg s10  }
0xf: {  	s12 =	sadd.s32 $0x6000, s3;
	[dreg:$0x9] =	wrdreg s11  }
0x10: {  	s13 =	sadd.s32 $0x7000, s3;
	[dreg:$0xa] =	wrdreg s12  }
0x11: {  	s14 =	sadd.s32 $0x8000, s3;
	[dreg:$0xb] =	wrdreg s13  }
0x12: {  	s15 =	sadd.s32 $0x9000, s3;
	[dreg:$0xc] =	wrdreg s14  }
0x13: {  	s17 =	sadd.s32 $0xA000, s3;
	[dreg:$0xd] =	wrdreg s15  }
0x14: {  	s5 =	simm.s32 $0x3;
	[dreg:$0xe] =	wrdreg s17;
	s4 =	simm.s32 $0x10000  }
0x15: {  	[tilespmem:s4], [sflag:$0x3] =	stream.linear.gather [hbm4b:s16+s2], $0x1000, $0x38;
	[tilespmem:$0x19000] =	vst v63  }
0x16: {  	_ =	swait.ge [sflag:s5], $0x1000  }
0x17: {  	[sflag:s5] =	ssyncset.done $0x0  }
0x18: {  	s6 =	simm.s32 $0x11000;
	s18 =	rddreg [dreg:$0x4];
	[sflag:s5] =	ssyncadd.s32 $0xFFFFF000  }
0x19: {  	[tilespmem:s6], [sflag:$0x3] =	stream.linear.gather [hbm4b:s18+s2], $0x8000, $0x38;
	[tilespmem:$0x19000] =	vst v63  }
0x1a: {  	_ =	swait.ge [sflag:s5], $0x8000  }
0x1b: {  	[sflag:s5] =	ssyncset.done $0x0  }
0x1c: {  	[sflag:s5] =	ssyncadd.s32 $0xFFFF8000  }
0x1d: {  	[hbm4b:s3+s2] =	stream.linear.scatter [tilespmem:s2], [sflag:$0x1], $0x8000, $0x38;
	[tilespmem:$0x19000] =	vst v63  }
0x1e: {  	s7 =	simm.s32 $0x8000;
	s8 =	simm.s32 $0x1;
	s9 =	rddreg [dreg:$0x5]  }
0x1f: {  	[hbm4b:s9+s2] =	stream.linear.scatter [tilespmem:s7], [sflag:$0x2], $0x8000, $0x38;
	[tilespmem:$0x19000] =	vst v63  }
0x20: {  	_ =	swait.ge [sflag:s8], $0x8000  }
0x21: {  	[sflag:s8] =	ssyncset.done $0x0  }
0x22: {  	s9 =	simm.s32 $0x2;
	s10 =	rddreg [dreg:$0x6];
	[sflag:s8] =	ssyncadd.s32 $0xFFFF8000  }
0x23: {  	[hbm4b:s10+s2] =	stream.linear.scatter [tilespmem:s2], [sflag:$0x1], $0x8000, $0x38;
	[tilespmem:$0x19000] =	vst v63  }
0x24: {  	_ =	swait.ge [sflag:s9], $0x8000  }
0x25: {  	[sflag:s9] =	ssyncset.done $0x0  }
0x26: {  	s19 =	rddreg [dreg:$0x7];
	[sflag:s9] =	ssyncadd.s32 $0xFFFF8000  }
0x27: {  	[hbm4b:s19+s2] =	stream.linear.scatter [tilespmem:s7], [sflag:$0x2], $0x8000, $0x38;
	[tilespmem:$0x19000] =	vst v63  }
0x28: {  	_ =	swait.ge [sflag:s8], $0x8000  }
0x29: {  	[sflag:s8] =	ssyncset.done $0x0  }
0x2a: {  	s20 =	rddreg [dreg:$0x8];
	[sflag:s8] =	ssyncadd.s32 $0xFFFF8000  }
0x2b: {  	[hbm4b:s20+s2] =	stream.linear.scatter [tilespmem:s2], [sflag:$0x1], $0x8000, $0x38;
	[tilespmem:$0x19000] =	vst v63  }
0x2c: {  	_ =	swait.ge [sflag:s9], $0x8000  }
0x2d: {  	[sflag:s9] =	ssyncset.done $0x0  }
0x2e: {  	s21 =	rddreg [dreg:$0x9];
	[sflag:s9] =	ssyncadd.s32 $0xFFFF8000  }
0x2f: {  	[hbm4b:s21+s2] =	stream.linear.scatter [tilespmem:s7], [sflag:$0x2], $0x8000, $0x38;
	[tilespmem:$0x19000] =	vst v63  }
0x30: {  	_ =	swait.ge [sflag:s8], $0x8000  }
0x31: {  	[sflag:s8] =	ssyncset.done $0x0  }
0x32: {  	s22 =	rddreg [dreg:$0xa];
	[sflag:s8] =	ssyncadd.s32 $0xFFFF8000  }
0x33: {  	[hbm4b:s22+s2] =	stream.linear.scatter [tilespmem:s2], [sflag:$0x1], $0x8000, $0x38;
	[tilespmem:$0x19000] =	vst v63  }
0x34: {  	_ =	swait.ge [sflag:s9], $0x8000  }
0x35: {  	[sflag:s9] =	ssyncset.done $0x0  }
0x36: {  	s23 =	rddreg [dreg:$0xb];
	[sflag:s9] =	ssyncadd.s32 $0xFFFF8000  }
0x37: {  	[hbm4b:s23+s2] =	stream.linear.scatter [tilespmem:s7], [sflag:$0x2], $0x8000, $0x38;
	[tilespmem:$0x19000] =	vst v63  }
0x38: {  	_ =	swait.ge [sflag:s8], $0x8000  }
0x39: {  	[sflag:s8] =	ssyncset.done $0x0  }
0x3a: {  	s24 =	rddreg [dreg:$0xc];
	[sflag:s8] =	ssyncadd.s32 $0xFFFF8000  }
0x3b: {  	[hbm4b:s24+s2] =	stream.linear.scatter [tilespmem:s2], [sflag:$0x1], $0x8000, $0x38;
	[tilespmem:$0x19000] =	vst v63  }
0x3c: {  	_ =	swait.ge [sflag:s9], $0x8000  }
0x3d: {  	[sflag:s9] =	ssyncset.done $0x0  }
0x3e: {  	s25 =	rddreg [dreg:$0xd];
	[sflag:s9] =	ssyncadd.s32 $0xFFFF8000  }
0x3f: {  	[hbm4b:s25+s2] =	stream.linear.scatter [tilespmem:s7], [sflag:$0x2], $0x8000, $0x38;
	[tilespmem:$0x19000] =	vst v63  }
0x40: {  	_ =	swait.ge [sflag:s8], $0x8000  }
0x41: {  	[sflag:s8] =	ssyncset.done $0x0  }
0x42: {  	s26 =	rddreg [dreg:$0xe];
	[sflag:s8] =	ssyncadd.s32 $0xFFFF8000  }
0x43: {  	[hbm4b:s26+s2] =	stream.linear.scatter [tilespmem:s2], [sflag:$0x1], $0x8000, $0x38;
	[tilespmem:$0x19000] =	vst v63  }
0x44: {  	_ =	swait.ge [sflag:s9], $0x8000  }
0x45: {  	[sflag:s9] =	ssyncset.done $0x0  }
0x46: {  	s10 =	sadd.s32 $0xB000, s3;
	[sflag:s9] =	ssyncadd.s32 $0xFFFF8000  }
0x47: {  	[hbm4b:s10+s2] =	stream.linear.scatter [tilespmem:s7], [sflag:$0x2], $0x8000, $0x38;
	[tilespmem:$0x19000] =	vst v63  }
0x48: {  	_ =	swait.ge [sflag:s8], $0x8000  }
0x49: {  	[sflag:s8] =	ssyncset.done $0x0  }
0x4a: {  	s11 =	sadd.s32 $0xC000, s3;
	[sflag:s8] =	ssyncadd.s32 $0xFFFF8000  }
0x4b: {  	[hbm4b:s11+s2] =	stream.linear.scatter [tilespmem:s2], [sflag:$0x1], $0x8000, $0x38;
	[tilespmem:$0x19000] =	vst v63  }
0x4c: {  	_ =	swait.ge [sflag:s9], $0x8000  }
0x4d: {  	[sflag:s9] =	ssyncset.done $0x0  }
0x4e: {  	s12 =	sadd.s32 $0xD000, s3;
	[sflag:s9] =	ssyncadd.s32 $0xFFFF8000  }
0x4f: {  	[hbm4b:s12+s2] =	stream.linear.scatter [tilespmem:s7], [sflag:$0x2], $0x8000, $0x38;
	[tilespmem:$0x19000] =	vst v63  }
0x50: {  	_ =	swait.ge [sflag:s8], $0x8000  }
0x51: {  	[sflag:s8] =	ssyncset.done $0x0  }
0x52: {  	s13 =	sadd.s32 $0xE000, s3;
	[sflag:s8] =	ssyncadd.s32 $0xFFFF8000  }
0x53: {  	[hbm4b:s13+s2] =	stream.linear.scatter [tilespmem:s2], [sflag:$0x1], $0x8000, $0x38;
	[tilespmem:$0x19000] =	vst v63  }
0x54: {  	_ =	swait.ge [sflag:s9], $0x8000  }
0x55: {  	[sflag:s9] =	ssyncset.done $0x0  }
0x56: {  	s14 =	sadd.s32 $0xF000, s3;
	[sflag:s9] =	ssyncadd.s32 $0xFFFF8000  }
0x57: {  	[hbm4b:s14+s2] =	stream.linear.scatter [tilespmem:s7], [sflag:$0x2], $0x8000, $0x38;
	[tilespmem:$0x19000] =	vst v63  }
0x58: {  	_ =	swait.ge [sflag:s8], $0x8000  }
0x59: {  	[sflag:s8] =	ssyncset.done $0x0  }
0x5a: {  	s15 =	sadd.s32 $0x10000, s3;
	[sflag:s8] =	ssyncadd.s32 $0xFFFF8000  }
0x5b: {  	[hbm4b:s15+s2] =	stream.linear.scatter [tilespmem:s2], [sflag:$0x1], $0x8000, $0x38;
	[tilespmem:$0x19000] =	vst v63  }
0x5c: {  	_ =	swait.ge [sflag:s9], $0x8000  }
0x5d: {  	[sflag:s9] =	ssyncset.done $0x0  }
0x5e: {  	s16 =	sadd.s32 $0x11000, s3;
	[sflag:s9] =	ssyncadd.s32 $0xFFFF8000  }
0x5f: {  	[hbm4b:s16+s2] =	stream.linear.scatter [tilespmem:s7], [sflag:$0x2], $0x8000, $0x38;
	[tilespmem:$0x19000] =	vst v63  }
0x60: {  	_ =	swait.ge [sflag:s8], $0x8000  }
0x61: {  	[sflag:s8] =	ssyncset.done $0x0  }
0x62: {  	s17 =	sadd.s32 $0x12000, s3;
	[sflag:s8] =	ssyncadd.s32 $0xFFFF8000  }
0x63: {  	[hbm4b:s17+s2] =	stream.linear.scatter [tilespmem:s2], [sflag:$0x1], $0x8000, $0x38;
	[tilespmem:$0x19000] =	vst v63  }
0x64: {  	_ =	swait.ge [sflag:s9], $0x8000  }
0x65: {  	[sflag:s9] =	ssyncset.done $0x0  }
0x66: {  	s18 =	sadd.s32 $0x13000, s3;
	[sflag:s9] =	ssyncadd.s32 $0xFFFF8000  }
0x67: {  	[hbm4b:s18+s2] =	stream.linear.scatter [tilespmem:s7], [sflag:$0x2], $0x8000, $0x38;
	[tilespmem:$0x19000] =	vst v63  }
0x68: {  	_ =	swait.ge [sflag:s8], $0x8000  }
0x69: {  	[sflag:s8] =	ssyncset.done $0x0  }
0x6a: {  	s19 =	sadd.s32 $0x14000, s3;
	[sflag:s8] =	ssyncadd.s32 $0xFFFF8000  }
0x6b: {  	[hbm4b:s19+s2] =	stream.linear.scatter [tilespmem:s2], [sflag:$0x1], $0x8000, $0x38;
	[tilespmem:$0x19000] =	vst v63  }
0x6c: {  	_ =	swait.ge [sflag:s9], $0x8000  }
0x6d: {  	[sflag:s9] =	ssyncset.done $0x0  }
0x6e: {  	s20 =	sadd.s32 $0x15000, s3;
	[sflag:s9] =	ssyncadd.s32 $0xFFFF8000  }
0x6f: {  	[hbm4b:s20+s2] =	stream.linear.scatter [tilespmem:s7], [sflag:$0x2], $0x8000, $0x38;
	[tilespmem:$0x19000] =	vst v63  }
0x70: {  	_ =	swait.ge [sflag:s8], $0x8000  }
0x71: {  	[sflag:s8] =	ssyncset.done $0x0  }
0x72: {  	s21 =	sadd.s32 $0x16000, s3;
	[sflag:s8] =	ssyncadd.s32 $0xFFFF8000  }
0x73: {  	[hbm4b:s21+s2] =	stream.linear.scatter [tilespmem:s2], [sflag:$0x1], $0x8000, $0x38;
	[tilespmem:$0x19000] =	vst v63  }
0x74: {  	_ =	swait.ge [sflag:s9], $0x8000  }
0x75: {  	[sflag:s9] =	ssyncset.done $0x0  }
0x76: {  	s22 =	sadd.s32 $0x17000, s3;
	[sflag:s9] =	ssyncadd.s32 $0xFFFF8000  }
0x77: {  	[hbm4b:s22+s2] =	stream.linear.scatter [tilespmem:s7], [sflag:$0x2], $0x8000, $0x38;
	[tilespmem:$0x19000] =	vst v63  }
0x78: {  	_ =	swait.ge [sflag:s8], $0x8000  }
0x79: {  	[sflag:s8] =	ssyncset.done $0x0  }
0x7a: {  	s23 =	sadd.s32 $0x18000, s3;
	[sflag:s8] =	ssyncadd.s32 $0xFFFF8000  }
0x7b: {  	[hbm4b:s23+s2] =	stream.linear.scatter [tilespmem:s2], [sflag:$0x1], $0x8000, $0x38;
	[tilespmem:$0x19000] =	vst v63  }
0x7c: {  	_ =	swait.ge [sflag:s9], $0x8000  }
0x7d: {  	[sflag:s9] =	ssyncset.done $0x0  }
0x7e: {  	s24 =	sadd.s32 $0x19000, s3;
	[sflag:s9] =	ssyncadd.s32 $0xFFFF8000  }
0x7f: {  	[hbm4b:s24+s2] =	stream.linear.scatter [tilespmem:s7], [sflag:$0x2], $0x8000, $0x38;
	[tilespmem:$0x19000] =	vst v63  }
0x80: {  	_ =	swait.ge [sflag:s8], $0x8000  }
0x81: {  	[sflag:s8] =	ssyncset.done $0x0  }
0x82: {  	s25 =	sadd.s32 $0x1A000, s3;
	[sflag:s8] =	ssyncadd.s32 $0xFFFF8000  }
0x83: {  	[hbm4b:s25+s2] =	stream.linear.scatter [tilespmem:s2], [sflag:$0x1], $0x8000, $0x38;
	[tilespmem:$0x19000] =	vst v63  }
0x84: {  	_ =	swait.ge [sflag:s9], $0x8000  }
0x85: {  	[sflag:s9] =	ssyncset.done $0x0  }
0x86: {  	s26 =	sadd.s32 $0x1B000, s3;
	[sflag:s9] =	ssyncadd.s32 $0xFFFF8000  }
0x87: {  	[hbm4b:s26+s2] =	stream.linear.scatter [tilespmem:s7], [sflag:$0x2], $0x8000, $0x38;
	[tilespmem:$0x19000] =	vst v63  }
0x88: {  	_ =	swait.ge [sflag:s8], $0x8000  }
0x89: {  	[sflag:s8] =	ssyncset.done $0x0  }
0x8a: {  	s28 =	sadd.s32 $0x1C000, s3;
	[sflag:s8] =	ssyncadd.s32 $0xFFFF8000  }
0x8b: {  	[hbm4b:s28+s2] =	stream.linear.scatter [tilespmem:s2], [sflag:$0x1], $0x8000, $0x38;
	[tilespmem:$0x19000] =	vst v63  }
0x8c: {  	_ =	swait.ge [sflag:s9], $0x8000  }
0x8d: {  	[sflag:s9] =	ssyncset.done $0x0  }
0x8e: {  	s29 =	sadd.s32 $0x1D000, s3;
	[sflag:s9] =	ssyncadd.s32 $0xFFFF8000  }
0x8f: {  	[hbm4b:s29+s2] =	stream.linear.scatter [tilespmem:s7], [sflag:$0x2], $0x8000, $0x38;
	[tilespmem:$0x19000] =	vst v63  }
0x90: {  	_ =	swait.ge [sflag:s8], $0x8000  }
0x91: {  	s0 =	ssub.s32 $0x2, s0;
	[sflag:s8] =	ssyncset.done $0x0  }
0x92: {  	s1 =	sshrl.u32 s0, $0x1;
	s30 =	sadd.s32 $0x1E000, s3;
	[sflag:s8] =	ssyncadd.s32 $0xFFFF8000  }
0x93: {  	[hbm4b:s30+s2] =	stream.linear.scatter [tilespmem:s2], [sflag:$0x1], $0x8000, $0x38;
	[tilespmem:$0x19000] =	vst v63  }
0x94: {  	s0 =	ssub.s32 s0, s1;
	_ =	swait.ge [sflag:s9], $0x8000  }
0x95: {  	s0 =	smax.u32 s0, $0x1;
	[sflag:s9] =	ssyncset.done $0x0  }
0x96: {  	s31 =	sadd.s32 $0x1F000, s3;
	p0 =	sne.s32 s0, $0x1;
	[sflag:s9] =	ssyncadd.s32 $0xFFFF8000  }
0x97: {  	[hbm4b:s31+s2] =	stream.linear.scatter [tilespmem:s7], [sflag:$0x2], $0x8000, $0x38;
	[tilespmem:$0x19000] =	vst v63  }
.Ltmp0:
0x98: {  	_ =	swait.ge [sflag:s8], $0x8000;
	(pc) =	sbr.rel @!p0 .LBB2_2-.Ltmp0, $4  }
0x99: {  	[sflag:s8] =	ssyncset.done $0x0  }
0x9a: {  	[sflag:s8] =	ssyncadd.s32 $0xFFFF8000  }
0x9b: {  	_ =	swait.ge [sflag:s9], $0x8000  }
0x9c: {  	s0 =	sadd.s32 $0xFFFFFFFF, s0;
	[sflag:s9] =	ssyncset.done $0x0  }
.LBB2_1:
0x9d: {  	s1 =	rddreg [dreg:$0x3];
	[sflag:s9] =	ssyncadd.s32 $0xFFFF8000  }
0x9e: {  	[tilespmem:s4], [sflag:$0x3] =	stream.linear.gather [hbm4b:s1+s2], $0x1000, $0x38;
	[tilespmem:$0x19000] =	vst v63  }
0x9f: {  	_ =	swait.ge [sflag:s5], $0x1000  }
0xa0: {  	[sflag:s5] =	ssyncset.done $0x0  }
0xa1: {  	s1 =	rddreg [dreg:$0x4];
	[sflag:s5] =	ssyncadd.s32 $0xFFFFF000  }
0xa2: {  	[tilespmem:s6], [sflag:$0x3] =	stream.linear.gather [hbm4b:s1+s2], $0x8000, $0x38;
	[tilespmem:$0x19000] =	vst v63  }
0xa3: {  	_ =	swait.ge [sflag:s5], $0x8000  }
0xa4: {  	[sflag:s5] =	ssyncset.done $0x0  }
0xa5: {  	[sflag:s5] =	ssyncadd.s32 $0xFFFF8000  }
0xa6: {  	[hbm4b:s3+s2] =	stream.linear.scatter [tilespmem:s2], [sflag:$0x1], $0x8000, $0x38;
	[tilespmem:$0x19000] =	vst v63  }
0xa7: {  	s1 =	rddreg [dreg:$0x5]  }
0xa8: {  	[hbm4b:s1+s2] =	stream.linear.scatter [tilespmem:s7], [sflag:$0x2], $0x8000, $0x38;
	[tilespmem:$0x19000] =	vst v63  }
0xa9: {  	_ =	swait.ge [sflag:s8], $0x8000  }
0xaa: {  	[sflag:s8] =	ssyncset.done $0x0  }
0xab: {  	s1 =	rddreg [dreg:$0x6];
	[sflag:s8] =	ssyncadd.s32 $0xFFFF8000  }
0xac: {  	[hbm4b:s1+s2] =	stream.linear.scatter [tilespmem:s2], [sflag:$0x1], $0x8000, $0x38;
	[tilespmem:$0x19000] =	vst v63  }
0xad: {  	_ =	swait.ge [sflag:s9], $0x8000  }
0xae: {  	[sflag:s9] =	ssyncset.done $0x0  }
0xaf: {  	s1 =	rddreg [dreg:$0x7];
	[sflag:s9] =	ssyncadd.s32 $0xFFFF8000  }
0xb0: {  	[hbm4b:s1+s2] =	stream.linear.scatter [tilespmem:s7], [sflag:$0x2], $0x8000, $0x38;
	[tilespmem:$0x19000] =	vst v63  }
0xb1: {  	_ =	swait.ge [sflag:s8], $0x8000  }
0xb2: {  	[sflag:s8] =	ssyncset.done $0x0  }
0xb3: {  	s1 =	rddreg [dreg:$0x8];
	[sflag:s8] =	ssyncadd.s32 $0xFFFF8000  }
0xb4: {  	[hbm4b:s1+s2] =	stream.linear.scatter [tilespmem:s2], [sflag:$0x1], $0x8000, $0x38;
	[tilespmem:$0x19000] =	vst v63  }
0xb5: {  	_ =	swait.ge [sflag:s9], $0x8000  }
0xb6: {  	[sflag:s9] =	ssyncset.done $0x0  }
0xb7: {  	s1 =	rddreg [dreg:$0x9];
	[sflag:s9] =	ssyncadd.s32 $0xFFFF8000  }
0xb8: {  	[hbm4b:s1+s2] =	stream.linear.scatter [tilespmem:s7], [sflag:$0x2], $0x8000, $0x38;
	[tilespmem:$0x19000] =	vst v63  }
0xb9: {  	_ =	swait.ge [sflag:s8], $0x8000  }
0xba: {  	[sflag:s8] =	ssyncset.done $0x0  }
0xbb: {  	s1 =	rddreg [dreg:$0xa];
	[sflag:s8] =	ssyncadd.s32 $0xFFFF8000  }
0xbc: {  	[hbm4b:s1+s2] =	stream.linear.scatter [tilespmem:s2], [sflag:$0x1], $0x8000, $0x38;
	[tilespmem:$0x19000] =	vst v63  }
0xbd: {  	_ =	swait.ge [sflag:s9], $0x8000  }
0xbe: {  	[sflag:s9] =	ssyncset.done $0x0  }
0xbf: {  	s1 =	rddreg [dreg:$0xb];
	[sflag:s9] =	ssyncadd.s32 $0xFFFF8000  }
0xc0: {  	[hbm4b:s1+s2] =	stream.linear.scatter [tilespmem:s7], [sflag:$0x2], $0x8000, $0x38;
	[tilespmem:$0x19000] =	vst v63  }
0xc1: {  	_ =	swait.ge [sflag:s8], $0x8000  }
0xc2: {  	[sflag:s8] =	ssyncset.done $0x0  }
0xc3: {  	s1 =	rddreg [dreg:$0xc];
	[sflag:s8] =	ssyncadd.s32 $0xFFFF8000  }
0xc4: {  	[hbm4b:s1+s2] =	stream.linear.scatter [tilespmem:s2], [sflag:$0x1], $0x8000, $0x38;
	[tilespmem:$0x19000] =	vst v63  }
0xc5: {  	_ =	swait.ge [sflag:s9], $0x8000  }
0xc6: {  	[sflag:s9] =	ssyncset.done $0x0  }
0xc7: {  	s1 =	rddreg [dreg:$0xd];
	[sflag:s9] =	ssyncadd.s32 $0xFFFF8000  }
0xc8: {  	[hbm4b:s1+s2] =	stream.linear.scatter [tilespmem:s7], [sflag:$0x2], $0x8000, $0x38;
	[tilespmem:$0x19000] =	vst v63  }
0xc9: {  	_ =	swait.ge [sflag:s8], $0x8000  }
0xca: {  	[sflag:s8] =	ssyncset.done $0x0  }
0xcb: {  	s1 =	rddreg [dreg:$0xe];
	[sflag:s8] =	ssyncadd.s32 $0xFFFF8000  }
0xcc: {  	[hbm4b:s1+s2] =	stream.linear.scatter [tilespmem:s2], [sflag:$0x1], $0x8000, $0x38;
	[tilespmem:$0x19000] =	vst v63  }
0xcd: {  	_ =	swait.ge [sflag:s9], $0x8000  }
0xce: {  	[sflag:s9] =	ssyncset.done $0x0  }
0xcf: {  	[sflag:s9] =	ssyncadd.s32 $0xFFFF8000  }
0xd0: {  	[hbm4b:s10+s2] =	stream.linear.scatter [tilespmem:s7], [sflag:$0x2], $0x8000, $0x38;
	[tilespmem:$0x19000] =	vst v63  }
0xd1: {  	_ =	swait.ge [sflag:s8], $0x8000  }
0xd2: {  	[sflag:s8] =	ssyncset.done $0x0  }
0xd3: {  	[sflag:s8] =	ssyncadd.s32 $0xFFFF8000  }
0xd4: {  	[hbm4b:s11+s2] =	stream.linear.scatter [tilespmem:s2], [sflag:$0x1], $0x8000, $0x38;
	[tilespmem:$0x19000] =	vst v63  }
0xd5: {  	_ =	swait.ge [sflag:s9], $0x8000  }
0xd6: {  	[sflag:s9] =	ssyncset.done $0x0  }
0xd7: {  	[sflag:s9] =	ssyncadd.s32 $0xFFFF8000  }
0xd8: {  	[hbm4b:s12+s2] =	stream.linear.scatter [tilespmem:s7], [sflag:$0x2], $0x8000, $0x38;
	[tilespmem:$0x19000] =	vst v63  }
0xd9: {  	_ =	swait.ge [sflag:s8], $0x8000  }
0xda: {  	[sflag:s8] =	ssyncset.done $0x0  }
0xdb: {  	[sflag:s8] =	ssyncadd.s32 $0xFFFF8000  }
0xdc: {  	[hbm4b:s13+s2] =	stream.linear.scatter [tilespmem:s2], [sflag:$0x1], $0x8000, $0x38;
	[tilespmem:$0x19000] =	vst v63  }
0xdd: {  	_ =	swait.ge [sflag:s9], $0x8000  }
0xde: {  	[sflag:s9] =	ssyncset.done $0x0  }
0xdf: {  	[sflag:s9] =	ssyncadd.s32 $0xFFFF8000  }
0xe0: {  	[hbm4b:s14+s2] =	stream.linear.scatter [tilespmem:s7], [sflag:$0x2], $0x8000, $0x38;
	[tilespmem:$0x19000] =	vst v63  }
0xe1: {  	_ =	swait.ge [sflag:s8], $0x8000  }
0xe2: {  	[sflag:s8] =	ssyncset.done $0x0  }
0xe3: {  	[sflag:s8] =	ssyncadd.s32 $0xFFFF8000  }
0xe4: {  	[hbm4b:s15+s2] =	stream.linear.scatter [tilespmem:s2], [sflag:$0x1], $0x8000, $0x38;
	[tilespmem:$0x19000] =	vst v63  }
0xe5: {  	_ =	swait.ge [sflag:s9], $0x8000  }
0xe6: {  	[sflag:s9] =	ssyncset.done $0x0  }
0xe7: {  	[sflag:s9] =	ssyncadd.s32 $0xFFFF8000  }
0xe8: {  	[hbm4b:s16+s2] =	stream.linear.scatter [tilespmem:s7], [sflag:$0x2], $0x8000, $0x38;
	[tilespmem:$0x19000] =	vst v63  }
0xe9: {  	_ =	swait.ge [sflag:s8], $0x8000  }
0xea: {  	[sflag:s8] =	ssyncset.done $0x0  }
0xeb: {  	[sflag:s8] =	ssyncadd.s32 $0xFFFF8000  }
0xec: {  	[hbm4b:s17+s2] =	stream.linear.scatter [tilespmem:s2], [sflag:$0x1], $0x8000, $0x38;
	[tilespmem:$0x19000] =	vst v63  }
0xed: {  	_ =	swait.ge [sflag:s9], $0x8000  }
0xee: {  	[sflag:s9] =	ssyncset.done $0x0  }
0xef: {  	[sflag:s9] =	ssyncadd.s32 $0xFFFF8000  }
0xf0: {  	[hbm4b:s18+s2] =	stream.linear.scatter [tilespmem:s7], [sflag:$0x2], $0x8000, $0x38;
	[tilespmem:$0x19000] =	vst v63  }
0xf1: {  	_ =	swait.ge [sflag:s8], $0x8000  }
0xf2: {  	[sflag:s8] =	ssyncset.done $0x0  }
0xf3: {  	[sflag:s8] =	ssyncadd.s32 $0xFFFF8000  }
0xf4: {  	[hbm4b:s19+s2] =	stream.linear.scatter [tilespmem:s2], [sflag:$0x1], $0x8000, $0x38;
	[tilespmem:$0x19000] =	vst v63  }
0xf5: {  	_ =	swait.ge [sflag:s9], $0x8000  }
0xf6: {  	[sflag:s9] =	ssyncset.done $0x0  }
0xf7: {  	[sflag:s9] =	ssyncadd.s32 $0xFFFF8000  }
0xf8: {  	[hbm4b:s20+s2] =	stream.linear.scatter [tilespmem:s7], [sflag:$0x2], $0x8000, $0x38;
	[tilespmem:$0x19000] =	vst v63  }
0xf9: {  	_ =	swait.ge [sflag:s8], $0x8000  }
0xfa: {  	[sflag:s8] =	ssyncset.done $0x0  }
0xfb: {  	[sflag:s8] =	ssyncadd.s32 $0xFFFF8000  }
0xfc: {  	[hbm4b:s21+s2] =	stream.linear.scatter [tilespmem:s2], [sflag:$0x1], $0x8000, $0x38;
	[tilespmem:$0x19000] =	vst v63  }
0xfd: {  	_ =	swait.ge [sflag:s9], $0x8000  }
0xfe: {  	[sflag:s9] =	ssyncset.done $0x0  }
0xff: {  	[sflag:s9] =	ssyncadd.s32 $0xFFFF8000  }
0x100: {  	[hbm4b:s22+s2] =	stream.linear.scatter [tilespmem:s7], [sflag:$0x2], $0x8000, $0x38;
	[tilespmem:$0x19000] =	vst v63  }
0x101: {  	_ =	swait.ge [sflag:s8], $0x8000  }
0x102: {  	[sflag:s8] =	ssyncset.done $0x0  }
0x103: {  	[sflag:s8] =	ssyncadd.s32 $0xFFFF8000  }
0x104: {  	[hbm4b:s23+s2] =	stream.linear.scatter [tilespmem:s2], [sflag:$0x1], $0x8000, $0x38;
	[tilespmem:$0x19000] =	vst v63  }
0x105: {  	_ =	swait.ge [sflag:s9], $0x8000  }
0x106: {  	[sflag:s9] =	ssyncset.done $0x0  }
0x107: {  	[sflag:s9] =	ssyncadd.s32 $0xFFFF8000  }
0x108: {  	[hbm4b:s24+s2] =	stream.linear.scatter [tilespmem:s7], [sflag:$0x2], $0x8000, $0x38;
	[tilespmem:$0x19000] =	vst v63  }
0x109: {  	_ =	swait.ge [sflag:s8], $0x8000  }
0x10a: {  	[sflag:s8] =	ssyncset.done $0x0  }
0x10b: {  	[sflag:s8] =	ssyncadd.s32 $0xFFFF8000  }
0x10c: {  	[hbm4b:s25+s2] =	stream.linear.scatter [tilespmem:s2], [sflag:$0x1], $0x8000, $0x38;
	[tilespmem:$0x19000] =	vst v63  }
0x10d: {  	_ =	swait.ge [sflag:s9], $0x8000  }
0x10e: {  	[sflag:s9] =	ssyncset.done $0x0  }
0x10f: {  	[sflag:s9] =	ssyncadd.s32 $0xFFFF8000  }
0x110: {  	[hbm4b:s26+s2] =	stream.linear.scatter [tilespmem:s7], [sflag:$0x2], $0x8000, $0x38;
	[tilespmem:$0x19000] =	vst v63  }
0x111: {  	_ =	swait.ge [sflag:s8], $0x8000  }
0x112: {  	[sflag:s8] =	ssyncset.done $0x0  }
0x113: {  	[sflag:s8] =	ssyncadd.s32 $0xFFFF8000  }
0x114: {  	[hbm4b:s28+s2] =	stream.linear.scatter [tilespmem:s2], [sflag:$0x1], $0x8000, $0x38;
	[tilespmem:$0x19000] =	vst v63  }
0x115: {  	_ =	swait.ge [sflag:s9], $0x8000  }
0x116: {  	[sflag:s9] =	ssyncset.done $0x0  }
0x117: {  	[sflag:s9] =	ssyncadd.s32 $0xFFFF8000  }
0x118: {  	[hbm4b:s29+s2] =	stream.linear.scatter [tilespmem:s7], [sflag:$0x2], $0x8000, $0x38;
	[tilespmem:$0x19000] =	vst v63  }
0x119: {  	_ =	swait.ge [sflag:s8], $0x8000  }
0x11a: {  	[sflag:s8] =	ssyncset.done $0x0  }
0x11b: {  	[sflag:s8] =	ssyncadd.s32 $0xFFFF8000  }
0x11c: {  	[hbm4b:s30+s2] =	stream.linear.scatter [tilespmem:s2], [sflag:$0x1], $0x8000, $0x38;
	[tilespmem:$0x19000] =	vst v63  }
0x11d: {  	_ =	swait.ge [sflag:s9], $0x8000  }
0x11e: {  	[sflag:s9] =	ssyncset.done $0x0  }
0x11f: {  	p0 =	sne.s32 s0, $0x1;
	[sflag:s9] =	ssyncadd.s32 $0xFFFF8000  }
0x120: {  	[hbm4b:s31+s2] =	stream.linear.scatter [tilespmem:s7], [sflag:$0x2], $0x8000, $0x38;
	[tilespmem:$0x19000] =	vst v63  }
.Ltmp1:
0x121: {  	_ =	swait.ge [sflag:s8], $0x8000;
	(pc) =	sbr.rel @p0 .LBB2_1-.Ltmp1, $4  }
0x122: {  	[sflag:s8] =	ssyncset.done $0x0  }
0x123: {  	[sflag:s8] =	ssyncadd.s32 $0xFFFF8000  }
0x124: {  	_ =	swait.ge [sflag:s9], $0x8000  }
0x125: {  	s0 =	sadd.s32 $0xFFFFFFFF, s0;
	[sflag:s9] =	ssyncset.done $0x0  }
.LBB2_2:
0x126: {  	[sflag:s9] =	ssyncadd.s32 $0xFFFF8000  }
0x127: {  	_ =	sfence.sel $0x180000  }
0x128: {  	[bflag:$0x0] =	sbarrier.arrive $0xFFFF  }
0x129: {  	_ =	strace $0x90000047  }
0x12a: {  	s0 =	stileid.u32;
	[bflag:$0x2] =	sbarrier.arrive $0xFFFF  }
0x12b: {  	p0 =	sne.s32 s0, $0x0;
	s0 =	rddreg [dreg:$0x2]  }
0x12c: {  	s0 =	sadd.s32 @!p0 $0x100000, s0  }
0x12d: {  	[sflag:s0] =	ssyncadd.tile.s32 @!p0 $0x1;
	_ =	shalt  }
.Lfunc_end2:
_tile_overlayer_lowered:
.L_overlay_start_2:
0x12e: {  	(tag) =	ssettag $0x2  }
0x12f: {  	s0 =	rddreg [dreg:$0x0];
	s2 =	stileid.u32  }
0x130: {  	s1 =	rddreg [dreg:$0x1];
	p0 =	sne.s32 s2, $0x0  }
0x131: {  	s3 =	rddreg [dreg:$0x2];
	[bflag:$0x3] =	sbarrier.arrive $0xFFFF;
	s2 =	simm.s32 @!p0 $0x1C03  }
0x132: {  	[timem:s3], [sflag:s2] =	dma.local @!p0 [hbm:s0], s1  }
0x133: {  	s0 =	simm.s32 @!p0 $0x3  }
0x134: {  	_ =	swait.ge @!p0 [sflag:s0], s1  }
0x135: {  	s1 =	ssub.s32 @!p0 $0x0, s1;
	[sflag:s0] =	ssyncset.done @!p0 $0x0  }
0x136: {  	[sflag:s0] =	ssyncadd.s32 @!p0 s1  }
0x137: {  	[bflag:$0x3] =	sbarrier.arrive $0xFFFF  }
0x138: {  	_ =	shalt  }

</sc_bundles>
